<compile_context>
chip_gen: v7x
topology: tpu7x:2x2x1
jax: 0.10.2.dev20260603
libtpu: 0.0.44.dev20260713+nightly
codegen_flags: <defaults>
</compile_context>

<pallas_src>
import jax
import jax.numpy as jnp
from jax import lax
from jax.experimental import pallas as pl
from jax.experimental.pallas import tpu as pltpu
from jax.experimental.pallas import tpu_sc as plsc

B = 16384
D = 32
L = 16
NC = 2
NS = 16
NW = NC * NS
BPW = B // NW
NCHUNK = 4
CH = BPW // NCHUNK
NK = BPW // L

NUM_GENDER = 2
NUM_AGE = 7
NUM_OCC = 21


def _body(gidx, aidx, oidx, zidx, Wg, Wa, Wo, Wz, out,
          gi_v, ai_v, oi_v, zi_v, g_v, a_v, o_v, z_v, gt_v, at_v, ot_v,
          isem, gsem, zsem):
    wid = lax.axis_index("s") * NC + lax.axis_index("c")
    base = wid * BPW

    zcopy = pltpu.async_copy(zidx.at[pl.ds(base, BPW)], zi_v, zsem)
    idx_copies = [
        pltpu.async_copy(gidx.at[pl.ds(base, BPW)], gi_v, isem),
        pltpu.async_copy(aidx.at[pl.ds(base, BPW)], ai_v, isem),
        pltpu.async_copy(oidx.at[pl.ds(base, BPW)], oi_v, isem),
        pltpu.async_copy(Wg, gt_v, isem),
        pltpu.async_copy(Wa, at_v, isem),
        pltpu.async_copy(Wo, ot_v, isem),
    ]
    zcopy.wait()
    area_copies = [
        pltpu.async_copy(Wz.at[zi_v.at[pl.ds(j * CH, CH)]],
                         z_v.at[pl.ds(j * CH, CH)], gsem)
        for j in range(NCHUNK)
    ]
    for c in idx_copies:
        c.wait()

    def row_block(rb, _):
        for idx_v, tab_v, dst_v in ((gi_v, gt_v, g_v), (ai_v, at_v, a_v),
                                    (oi_v, ot_v, o_v)):
            idxvec = idx_v[pl.ds(rb * L, L)]
            for u in range(L):
                i = idxvec[u]
                r = rb * L + u
                for h in range(D // L):
                    dst_v[r, pl.ds(h * L, L)] = tab_v[i, pl.ds(h * L, L)]
        return 0

    lax.fori_loop(0, NK, row_block, 0)

    for c in area_copies:
        c.wait()

    wcopies = [
        pltpu.async_copy(g_v, out.at[pl.ds(base, BPW), pl.ds(0 * D, D)], isem),
        pltpu.async_copy(a_v, out.at[pl.ds(base, BPW), pl.ds(1 * D, D)], isem),
        pltpu.async_copy(o_v, out.at[pl.ds(base, BPW), pl.ds(2 * D, D)], isem),
        pltpu.async_copy(z_v, out.at[pl.ds(base, BPW), pl.ds(3 * D, D)], isem),
    ]
    for c in wcopies:
        c.wait()


@jax.jit
def _lookup_concat(gidx, aidx, oidx, zidx, Wg, Wa, Wo, Wz):
    mesh = plsc.VectorSubcoreMesh(core_axis_name="c", subcore_axis_name="s",
                                  num_cores=NC, num_subcores=NS)
    f = pl.kernel(
        _body, mesh=mesh,
        out_type=jax.ShapeDtypeStruct((B, 4 * D), jnp.float32),
        scratch_types=[
            pltpu.VMEM((BPW,), jnp.int32),
            pltpu.VMEM((BPW,), jnp.int32),
            pltpu.VMEM((BPW,), jnp.int32),
            pltpu.VMEM((BPW,), jnp.int32),
            pltpu.VMEM((BPW, D), jnp.float32),
            pltpu.VMEM((BPW, D), jnp.float32),
            pltpu.VMEM((BPW, D), jnp.float32),
            pltpu.VMEM((BPW, D), jnp.float32),
            pltpu.VMEM((NUM_GENDER + 1, D), jnp.float32),
            pltpu.VMEM((NUM_AGE + 1, D), jnp.float32),
            pltpu.VMEM((NUM_OCC + 1, D), jnp.float32),
            pltpu.SemaphoreType.DMA,
            pltpu.SemaphoreType.DMA,
            pltpu.SemaphoreType.DMA,
        ],
        compiler_params=pltpu.CompilerParams(use_tc_tiling_on_sc=False,
                                             needs_layout_passes=False),
    )
    return f(gidx, aidx, oidx, zidx, Wg, Wa, Wo, Wz)


def _i32(x):
    return x if x.dtype == jnp.int32 else x.astype(jnp.int32)


def kernel(gender_idx, age_idx, occupation_idx, area_idx,
           W_gender, W_age, W_occ, W_area):
    return _lookup_concat(
        _i32(gender_idx), _i32(age_idx), _i32(occupation_idx), _i32(area_idx),
        W_gender, W_age, W_occ, W_area)

# --- scband reference (transcript-rebuilt; emitter-appended) ---
"""Pipeline reference for scband-user-8289286881832 (READ-ONLY COPY).

The authoritative reference and input builder live on the scoring server;
editing this copy changes nothing except your own understanding.
"""

import jax, jax.numpy as jnp
import numpy as np

B = 16384
D = 32
NUM_GENDER = 2
NUM_AGE = 7
NUM_OCC = 21
NUM_ZIP = 100000

def setup_inputs(seed: int = 0) -> dict:
    key = jax.random.key(seed)
    k1, k2, k3, k4, k5, k6, k7, k8 = jax.random.split(key, 8)
    gender_idx = jax.random.randint(k1, (B,), 0, NUM_GENDER + 1, dtype=jnp.int64 if jax.config.jax_enable_x64 else jnp.int32)
    age_idx = jax.random.randint(k2, (B,), 0, NUM_AGE + 1, dtype=jnp.int32)
    occupation_idx = jax.random.randint(k3, (B,), 0, NUM_OCC + 1, dtype=jnp.int32)
    area_idx = jax.random.randint(k4, (B,), 0, NUM_ZIP + 1, dtype=jnp.int32)
    W_gender = jax.random.normal(k5, (NUM_GENDER + 1, D), dtype=jnp.float32)
    W_age = jax.random.normal(k6, (NUM_AGE + 1, D), dtype=jnp.float32)
    W_occ = jax.random.normal(k7, (NUM_OCC + 1, D), dtype=jnp.float32)
    W_area = jax.random.normal(k8, (NUM_ZIP + 1, D), dtype=jnp.float32)
    return {
        'gender_idx': gender_idx,
        'age_idx': age_idx,
        'occupation_idx': occupation_idx,
        'area_idx': area_idx,
        'W_gender': W_gender,
        'W_age': W_age,
        'W_occ': W_occ,
        'W_area': W_area,
    }

def reference(gender_idx, age_idx, occupation_idx, area_idx, W_gender, W_age, W_occ, W_area):
    gender_emb = jnp.take(W_gender, gender_idx, axis=0)
    age_emb = jnp.take(W_age, age_idx, axis=0)
    occupation_emb = jnp.take(W_occ, occupation_idx, axis=0)
    area_emb = jnp.take(W_area, area_idx, axis=0)
    return jnp.concatenate((gender_emb, age_emb, occupation_emb, area_emb), axis=1)

if __name__ == "__main__":
    import jax
    _d = setup_inputs()
    print(jax.jit(kernel)(*tuple(_d.values())))

</pallas_src>

<mosaic_0001>
#map = affine_map<(d0, d1) -> (0)>
#map1 = affine_map<(d0, d1) -> (0, 0)>
module attributes {stable_mosaic.version = 14 : i64} {
  func.func @_body(%arg0: i32, %arg1: i32, %arg2: memref<16384xi32, #tpu.memory_space<hbm>>, %arg3: memref<16384xi32, #tpu.memory_space<hbm>>, %arg4: memref<16384xi32, #tpu.memory_space<hbm>>, %arg5: memref<16384xi32, #tpu.memory_space<hbm>>, %arg6: memref<3x32xf32, #tpu.memory_space<hbm>>, %arg7: memref<8x32xf32, #tpu.memory_space<hbm>>, %arg8: memref<22x32xf32, #tpu.memory_space<hbm>>, %arg9: memref<100001x32xf32, #tpu.memory_space<hbm>>, %arg10: memref<16384x128xf32, #tpu.memory_space<hbm>>, %arg11: memref<512xi32, #tpu.memory_space<vmem>>, %arg12: memref<512xi32, #tpu.memory_space<vmem>>, %arg13: memref<512xi32, #tpu.memory_space<vmem>>, %arg14: memref<512xi32, #tpu.memory_space<vmem>>, %arg15: memref<512x32xf32, #tpu.memory_space<vmem>>, %arg16: memref<512x32xf32, #tpu.memory_space<vmem>>, %arg17: memref<512x32xf32, #tpu.memory_space<vmem>>, %arg18: memref<512x32xf32, #tpu.memory_space<vmem>>, %arg19: memref<3x32xf32, #tpu.memory_space<vmem>>, %arg20: memref<8x32xf32, #tpu.memory_space<vmem>>, %arg21: memref<22x32xf32, #tpu.memory_space<vmem>>, %arg22: memref<!tpu.dma_semaphore, #tpu.memory_space<semaphore_mem>>, %arg23: memref<!tpu.dma_semaphore, #tpu.memory_space<semaphore_mem>>, %arg24: memref<!tpu.dma_semaphore, #tpu.memory_space<semaphore_mem>>) attributes {dimension_semantics = [#tpu.dimension_semantics<core_parallel>, #tpu.dimension_semantics<subcore_parallel>], iteration_bounds = array<i64: 2, 16>, scalar_prefetch = 0 : i64, scratch_operands = 14 : i64, tpu.core_type = #tpu.core_type<sc_vector_subcore>, window_params = [{transform_indices = #map}, {transform_indices = #map}, {transform_indices = #map}, {transform_indices = #map}, {transform_indices = #map1}, {transform_indices = #map1}, {transform_indices = #map1}, {transform_indices = #map1}, {transform_indices = #map1}]} {
    %mul3A = arith.constant 2 : i32
    %mul3A_0 = arith.muli %arg1, %mul3A : i32
    %add3A = arith.addi %mul3A_0, %arg0 : i32
    %mul3A_1 = arith.constant 512 : i32
    %mul3A_2 = arith.muli %add3A, %mul3A_1 : i32
    %dma_start3A = tpu.memref_slice %arg5[%mul3A_2] : memref<16384xi32, #tpu.memory_space<hbm>> -> memref<512xi32, #tpu.memory_space<hbm>>
    %dma_start3A_3 = tpu.memref_slice %arg5[%mul3A_2] : memref<16384xi32, #tpu.memory_space<hbm>> -> memref<512xi32, #tpu.memory_space<hbm>>
    tpu.enqueue_dma source(%dma_start3A_3 : memref<512xi32, #tpu.memory_space<hbm>>) target(%arg14 : memref<512xi32, #tpu.memory_space<vmem>>) target_semaphore(%arg24 : memref<!tpu.dma_semaphore, #tpu.memory_space<semaphore_mem>>)
    %dma_start3A_4 = tpu.memref_slice %arg2[%mul3A_2] : memref<16384xi32, #tpu.memory_space<hbm>> -> memref<512xi32, #tpu.memory_space<hbm>>
    %dma_start3A_5 = tpu.memref_slice %arg2[%mul3A_2] : memref<16384xi32, #tpu.memory_space<hbm>> -> memref<512xi32, #tpu.memory_space<hbm>>
    tpu.enqueue_dma source(%dma_start3A_5 : memref<512xi32, #tpu.memory_space<hbm>>) target(%arg11 : memref<512xi32, #tpu.memory_space<vmem>>) target_semaphore(%arg22 : memref<!tpu.dma_semaphore, #tpu.memory_space<semaphore_mem>>)
    %dma_start3A_6 = tpu.memref_slice %arg3[%mul3A_2] : memref<16384xi32, #tpu.memory_space<hbm>> -> memref<512xi32, #tpu.memory_space<hbm>>
    %dma_start3A_7 = tpu.memref_slice %arg3[%mul3A_2] : memref<16384xi32, #tpu.memory_space<hbm>> -> memref<512xi32, #tpu.memory_space<hbm>>
    tpu.enqueue_dma source(%dma_start3A_7 : memref<512xi32, #tpu.memory_space<hbm>>) target(%arg12 : memref<512xi32, #tpu.memory_space<vmem>>) target_semaphore(%arg22 : memref<!tpu.dma_semaphore, #tpu.memory_space<semaphore_mem>>)
    %dma_start3A_8 = tpu.memref_slice %arg4[%mul3A_2] : memref<16384xi32, #tpu.memory_space<hbm>> -> memref<512xi32, #tpu.memory_space<hbm>>
    %dma_start3A_9 = tpu.memref_slice %arg4[%mul3A_2] : memref<16384xi32, #tpu.memory_space<hbm>> -> memref<512xi32, #tpu.memory_space<hbm>>
    tpu.enqueue_dma source(%dma_start3A_9 : memref<512xi32, #tpu.memory_space<hbm>>) target(%arg13 : memref<512xi32, #tpu.memory_space<vmem>>) target_semaphore(%arg22 : memref<!tpu.dma_semaphore, #tpu.memory_space<semaphore_mem>>)
    tpu.enqueue_dma source(%arg6 : memref<3x32xf32, #tpu.memory_space<hbm>>) target(%arg19 : memref<3x32xf32, #tpu.memory_space<vmem>>) target_semaphore(%arg22 : memref<!tpu.dma_semaphore, #tpu.memory_space<semaphore_mem>>)
    tpu.enqueue_dma source(%arg7 : memref<8x32xf32, #tpu.memory_space<hbm>>) target(%arg20 : memref<8x32xf32, #tpu.memory_space<vmem>>) target_semaphore(%arg22 : memref<!tpu.dma_semaphore, #tpu.memory_space<semaphore_mem>>)
    tpu.enqueue_dma source(%arg8 : memref<22x32xf32, #tpu.memory_space<hbm>>) target(%arg21 : memref<22x32xf32, #tpu.memory_space<vmem>>) target_semaphore(%arg22 : memref<!tpu.dma_semaphore, #tpu.memory_space<semaphore_mem>>)
    %dma_wait3A = tpu.memref_slice %arg5[%mul3A_2] : memref<16384xi32, #tpu.memory_space<hbm>> -> memref<512xi32, #tpu.memory_space<hbm>>
    %dma_wait3A_10 = tpu.memref_slice %arg5[%mul3A_2] : memref<16384xi32, #tpu.memory_space<hbm>> -> memref<512xi32, #tpu.memory_space<hbm>>
    tpu.wait_dma2 semaphore(%arg24 : memref<!tpu.dma_semaphore, #tpu.memory_space<semaphore_mem>>) src(%dma_wait3A_10 : memref<512xi32, #tpu.memory_space<hbm>>) dst(%arg14 : memref<512xi32, #tpu.memory_space<vmem>>)
    %dma_start3A_11 = arith.constant 0 : i32
    %dma_start3A_12 = arith.constant 0 : i32
    %dma_start3A_13 = tpu.memref_slice %arg18[%dma_start3A_11, %dma_start3A_12] : memref<512x32xf32, #tpu.memory_space<vmem>> -> memref<128x32xf32, #tpu.memory_space<vmem>>
    %dma_start3A_14 = arith.constant 0 : i32
    %dma_start3A_15 = tpu.memref_slice %arg14[%dma_start3A_14] : memref<512xi32, #tpu.memory_space<vmem>> -> memref<128xi32, #tpu.memory_space<vmem>>
    %dma_start3A_16 = arith.constant 0 : i32
    %dma_start3A_17 = arith.constant 0 : i32
    %dma_start3A_18 = tpu.memref_slice %arg9[%dma_start3A_16, %dma_start3A_17] : memref<100001x32xf32, #tpu.memory_space<hbm>> -> memref<100001x32xf32, #tpu.memory_space<hbm>>
    tpu.enqueue_indirect_dma source(%dma_start3A_18 : memref<100001x32xf32, #tpu.memory_space<hbm>>) target(%dma_start3A_13 : memref<128x32xf32, #tpu.memory_space<vmem>>) offsets(%dma_start3A_15 : memref<128xi32, #tpu.memory_space<vmem>>) semaphore(%arg23 : memref<!tpu.dma_semaphore, #tpu.memory_space<semaphore_mem>>)
    %dma_start3A_19 = arith.constant 128 : i32
    %dma_start3A_20 = arith.constant 0 : i32
    %dma_start3A_21 = tpu.memref_slice %arg18[%dma_start3A_19, %dma_start3A_20] : memref<512x32xf32, #tpu.memory_space<vmem>> -> memref<128x32xf32, #tpu.memory_space<vmem>>
    %dma_start3A_22 = arith.constant 128 : i32
    %dma_start3A_23 = tpu.memref_slice %arg14[%dma_start3A_22] : memref<512xi32, #tpu.memory_space<vmem>> -> memref<128xi32, #tpu.memory_space<vmem>>
    %dma_start3A_24 = arith.constant 0 : i32
    %dma_start3A_25 = arith.constant 0 : i32
    %dma_start3A_26 = tpu.memref_slice %arg9[%dma_start3A_24, %dma_start3A_25] : memref<100001x32xf32, #tpu.memory_space<hbm>> -> memref<100001x32xf32, #tpu.memory_space<hbm>>
    tpu.enqueue_indirect_dma source(%dma_start3A_26 : memref<100001x32xf32, #tpu.memory_space<hbm>>) target(%dma_start3A_21 : memref<128x32xf32, #tpu.memory_space<vmem>>) offsets(%dma_start3A_23 : memref<128xi32, #tpu.memory_space<vmem>>) semaphore(%arg23 : memref<!tpu.dma_semaphore, #tpu.memory_space<semaphore_mem>>)
    %dma_start3A_27 = arith.constant 256 : i32
    %dma_start3A_28 = arith.constant 0 : i32
    %dma_start3A_29 = tpu.memref_slice %arg18[%dma_start3A_27, %dma_start3A_28] : memref<512x32xf32, #tpu.memory_space<vmem>> -> memref<128x32xf32, #tpu.memory_space<vmem>>
    %dma_start3A_30 = arith.constant 256 : i32
    %dma_start3A_31 = tpu.memref_slice %arg14[%dma_start3A_30] : memref<512xi32, #tpu.memory_space<vmem>> -> memref<128xi32, #tpu.memory_space<vmem>>
    %dma_start3A_32 = arith.constant 0 : i32
    %dma_start3A_33 = arith.constant 0 : i32
    %dma_start3A_34 = tpu.memref_slice %arg9[%dma_start3A_32, %dma_start3A_33] : memref<100001x32xf32, #tpu.memory_space<hbm>> -> memref<100001x32xf32, #tpu.memory_space<hbm>>
    tpu.enqueue_indirect_dma source(%dma_start3A_34 : memref<100001x32xf32, #tpu.memory_space<hbm>>) target(%dma_start3A_29 : memref<128x32xf32, #tpu.memory_space<vmem>>) offsets(%dma_start3A_31 : memref<128xi32, #tpu.memory_space<vmem>>) semaphore(%arg23 : memref<!tpu.dma_semaphore, #tpu.memory_space<semaphore_mem>>)
    %dma_start3A_35 = arith.constant 384 : i32
    %dma_start3A_36 = arith.constant 0 : i32
    %dma_start3A_37 = tpu.memref_slice %arg18[%dma_start3A_35, %dma_start3A_36] : memref<512x32xf32, #tpu.memory_space<vmem>> -> memref<128x32xf32, #tpu.memory_space<vmem>>
    %dma_start3A_38 = arith.constant 384 : i32
    %dma_start3A_39 = tpu.memref_slice %arg14[%dma_start3A_38] : memref<512xi32, #tpu.memory_space<vmem>> -> memref<128xi32, #tpu.memory_space<vmem>>
    %dma_start3A_40 = arith.constant 0 : i32
    %dma_start3A_41 = arith.constant 0 : i32
    %dma_start3A_42 = tpu.memref_slice %arg9[%dma_start3A_40, %dma_start3A_41] : memref<100001x32xf32, #tpu.memory_space<hbm>> -> memref<100001x32xf32, #tpu.memory_space<hbm>>
    tpu.enqueue_indirect_dma source(%dma_start3A_42 : memref<100001x32xf32, #tpu.memory_space<hbm>>) target(%dma_start3A_37 : memref<128x32xf32, #tpu.memory_space<vmem>>) offsets(%dma_start3A_39 : memref<128xi32, #tpu.memory_space<vmem>>) semaphore(%arg23 : memref<!tpu.dma_semaphore, #tpu.memory_space<semaphore_mem>>)
    %dma_wait3A_43 = tpu.memref_slice %arg2[%mul3A_2] : memref<16384xi32, #tpu.memory_space<hbm>> -> memref<512xi32, #tpu.memory_space<hbm>>
    %dma_wait3A_44 = tpu.memref_slice %arg2[%mul3A_2] : memref<16384xi32, #tpu.memory_space<hbm>> -> memref<512xi32, #tpu.memory_space<hbm>>
    tpu.wait_dma2 semaphore(%arg22 : memref<!tpu.dma_semaphore, #tpu.memory_space<semaphore_mem>>) src(%dma_wait3A_44 : memref<512xi32, #tpu.memory_space<hbm>>) dst(%arg11 : memref<512xi32, #tpu.memory_space<vmem>>)
    %dma_wait3A_45 = tpu.memref_slice %arg3[%mul3A_2] : memref<16384xi32, #tpu.memory_space<hbm>> -> memref<512xi32, #tpu.memory_space<hbm>>
    %dma_wait3A_46 = tpu.memref_slice %arg3[%mul3A_2] : memref<16384xi32, #tpu.memory_space<hbm>> -> memref<512xi32, #tpu.memory_space<hbm>>
    tpu.wait_dma2 semaphore(%arg22 : memref<!tpu.dma_semaphore, #tpu.memory_space<semaphore_mem>>) src(%dma_wait3A_46 : memref<512xi32, #tpu.memory_space<hbm>>) dst(%arg12 : memref<512xi32, #tpu.memory_space<vmem>>)
    %dma_wait3A_47 = tpu.memref_slice %arg4[%mul3A_2] : memref<16384xi32, #tpu.memory_space<hbm>> -> memref<512xi32, #tpu.memory_space<hbm>>
    %dma_wait3A_48 = tpu.memref_slice %arg4[%mul3A_2] : memref<16384xi32, #tpu.memory_space<hbm>> -> memref<512xi32, #tpu.memory_space<hbm>>
    tpu.wait_dma2 semaphore(%arg22 : memref<!tpu.dma_semaphore, #tpu.memory_space<semaphore_mem>>) src(%dma_wait3A_48 : memref<512xi32, #tpu.memory_space<hbm>>) dst(%arg13 : memref<512xi32, #tpu.memory_space<vmem>>)
    tpu.wait_dma2 semaphore(%arg22 : memref<!tpu.dma_semaphore, #tpu.memory_space<semaphore_mem>>) src(%arg6 : memref<3x32xf32, #tpu.memory_space<hbm>>) dst(%arg19 : memref<3x32xf32, #tpu.memory_space<vmem>>)
    tpu.wait_dma2 semaphore(%arg22 : memref<!tpu.dma_semaphore, #tpu.memory_space<semaphore_mem>>) src(%arg7 : memref<8x32xf32, #tpu.memory_space<hbm>>) dst(%arg20 : memref<8x32xf32, #tpu.memory_space<vmem>>)
    tpu.wait_dma2 semaphore(%arg22 : memref<!tpu.dma_semaphore, #tpu.memory_space<semaphore_mem>>) src(%arg8 : memref<22x32xf32, #tpu.memory_space<hbm>>) dst(%arg21 : memref<22x32xf32, #tpu.memory_space<vmem>>)
    %scan3A = arith.constant 0 : i32
    %scan3A_49 = arith.constant 0 : i32
    %scan3A_50 = arith.constant 32 : i32
    %scan3A_51 = arith.addi %scan3A_49, %scan3A_50 : i32
    %scan3A_52 = arith.constant 1 : i32
    %scan3A_53 = scf.for %scan3A_119 = %scan3A_49 to %scan3A_51 step %scan3A_52 iter_args(%scan3A_120 = %scan3A) -> (i32)  : i32 {
      %mul3A_121 = arith.constant 16 : i32
      %mul3A_122 = arith.muli %scan3A_119, %mul3A_121 : i32
      %get3A = arith.index_cast %mul3A_122 : i32 to index
      %get3A_123 = tpu.vector_load %arg11[%get3A] {strides = array<i32>} : memref<512xi32, #tpu.memory_space<vmem>>, vector<16xi32>,
      %slice3A = vector.extract_strided_slice %get3A_123 {offsets = [0], sizes = [1], strides = [1]} : vector<16xi32> to vector<1xi32>
      %squeeze3A = vector.extract %slice3A[0] : i32 from vector<1xi32>
      %mul3A_124 = arith.constant 16 : i32
      %mul3A_125 = arith.muli %scan3A_119, %mul3A_124 : i32
      %add3A_126 = arith.constant 0 : i32
      %add3A_127 = arith.addi %mul3A_125, %add3A_126 : i32
      %get3A_128 = arith.index_cast %squeeze3A : i32 to index
      %get3A_129 = arith.constant 0 : index
      %get3A_130 = tpu.vector_load %arg19[%get3A_128, %get3A_129] {strides = array<i32>} : memref<3x32xf32, #tpu.memory_space<vmem>>, vector<16xf32>,
      %swap3A = arith.index_cast %add3A_127 : i32 to index
      %swap3A_131 = arith.constant 0 : index
      %swap3A_132 = tpu.vector_load %arg15[%swap3A, %swap3A_131] {strides = array<i32>} : memref<512x32xf32, #tpu.memory_space<vmem>>, vector<16xf32>,
      tpu.vector_store %arg15[%swap3A, %swap3A_131], %get3A_130 {strides = array<i32>} : memref<512x32xf32, #tpu.memory_space<vmem>>, vector<16xf32>,
      %get3A_133 = arith.index_cast %squeeze3A : i32 to index
      %get3A_134 = arith.constant 16 : index
      %get3A_135 = tpu.vector_load %arg19[%get3A_133, %get3A_134] {strides = array<i32>} : memref<3x32xf32, #tpu.memory_space<vmem>>, vector<16xf32>,
      %swap3A_136 = arith.index_cast %add3A_127 : i32 to index
      %swap3A_137 = arith.constant 16 : index
      %swap3A_138 = tpu.vector_load %arg15[%swap3A_136, %swap3A_137] {strides = array<i32>} : memref<512x32xf32, #tpu.memory_space<vmem>>, vector<16xf32>,
      tpu.vector_store %arg15[%swap3A_136, %swap3A_137], %get3A_135 {strides = array<i32>} : memref<512x32xf32, #tpu.memory_space<vmem>>, vector<16xf32>,
      %slice3A_139 = vector.extract_strided_slice %get3A_123 {offsets = [1], sizes = [1], strides = [1]} : vector<16xi32> to vector<1xi32>
      %squeeze3A_140 = vector.extract %slice3A_139[0] : i32 from vector<1xi32>
      %mul3A_141 = arith.constant 16 : i32
      %mul3A_142 = arith.muli %scan3A_119, %mul3A_141 : i32
      %add3A_143 = arith.constant 1 : i32
      %add3A_144 = arith.addi %mul3A_142, %add3A_143 : i32
      %get3A_145 = arith.index_cast %squeeze3A_140 : i32 to index
      %get3A_146 = arith.constant 0 : index
      %get3A_147 = tpu.vector_load %arg19[%get3A_145, %get3A_146] {strides = array<i32>} : memref<3x32xf32, #tpu.memory_space<vmem>>, vector<16xf32>,
      %swap3A_148 = arith.index_cast %add3A_144 : i32 to index
      %swap3A_149 = arith.constant 0 : index
      %swap3A_150 = tpu.vector_load %arg15[%swap3A_148, %swap3A_149] {strides = array<i32>} : memref<512x32xf32, #tpu.memory_space<vmem>>, vector<16xf32>,
      tpu.vector_store %arg15[%swap3A_148, %swap3A_149], %get3A_147 {strides = array<i32>} : memref<512x32xf32, #tpu.memory_space<vmem>>, vector<16xf32>,
      %get3A_151 = arith.index_cast %squeeze3A_140 : i32 to index
      %get3A_152 = arith.constant 16 : index
      %get3A_153 = tpu.vector_load %arg19[%get3A_151, %get3A_152] {strides = array<i32>} : memref<3x32xf32, #tpu.memory_space<vmem>>, vector<16xf32>,
      %swap3A_154 = arith.index_cast %add3A_144 : i32 to index
      %swap3A_155 = arith.constant 16 : index
      %swap3A_156 = tpu.vector_load %arg15[%swap3A_154, %swap3A_155] {strides = array<i32>} : memref<512x32xf32, #tpu.memory_space<vmem>>, vector<16xf32>,
      tpu.vector_store %arg15[%swap3A_154, %swap3A_155], %get3A_153 {strides = array<i32>} : memref<512x32xf32, #tpu.memory_space<vmem>>, vector<16xf32>,
      %slice3A_157 = vector.extract_strided_slice %get3A_123 {offsets = [2], sizes = [1], strides = [1]} : vector<16xi32> to vector<1xi32>
      %squeeze3A_158 = vector.extract %slice3A_157[0] : i32 from vector<1xi32>
      %mul3A_159 = arith.constant 16 : i32
      %mul3A_160 = arith.muli %scan3A_119, %mul3A_159 : i32
      %add3A_161 = arith.constant 2 : i32
      %add3A_162 = arith.addi %mul3A_160, %add3A_161 : i32
      %get3A_163 = arith.index_cast %squeeze3A_158 : i32 to index
      %get3A_164 = arith.constant 0 : index
      %get3A_165 = tpu.vector_load %arg19[%get3A_163, %get3A_164] {strides = array<i32>} : memref<3x32xf32, #tpu.memory_space<vmem>>, vector<16xf32>,
      %swap3A_166 = arith.index_cast %add3A_162 : i32 to index
      %swap3A_167 = arith.constant 0 : index
      %swap3A_168 = tpu.vector_load %arg15[%swap3A_166, %swap3A_167] {strides = array<i32>} : memref<512x32xf32, #tpu.memory_space<vmem>>, vector<16xf32>,
      tpu.vector_store %arg15[%swap3A_166, %swap3A_167], %get3A_165 {strides = array<i32>} : memref<512x32xf32, #tpu.memory_space<vmem>>, vector<16xf32>,
      %get3A_169 = arith.index_cast %squeeze3A_158 : i32 to index
      %get3A_170 = arith.constant 16 : index
      %get3A_171 = tpu.vector_load %arg19[%get3A_169, %get3A_170] {strides = array<i32>} : memref<3x32xf32, #tpu.memory_space<vmem>>, vector<16xf32>,
      %swap3A_172 = arith.index_cast %add3A_162 : i32 to index
      %swap3A_173 = arith.constant 16 : index
      %swap3A_174 = tpu.vector_load %arg15[%swap3A_172, %swap3A_173] {strides = array<i32>} : memref<512x32xf32, #tpu.memory_space<vmem>>, vector<16xf32>,
      tpu.vector_store %arg15[%swap3A_172, %swap3A_173], %get3A_171 {strides = array<i32>} : memref<512x32xf32, #tpu.memory_space<vmem>>, vector<16xf32>,
      %slice3A_175 = vector.extract_strided_slice %get3A_123 {offsets = [3], sizes = [1], strides = [1]} : vector<16xi32> to vector<1xi32>
      %squeeze3A_176 = vector.extract %slice3A_175[0] : i32 from vector<1xi32>
      %mul3A_177 = arith.constant 16 : i32
      %mul3A_178 = arith.muli %scan3A_119, %mul3A_177 : i32
      %add3A_179 = arith.constant 3 : i32
      %add3A_180 = arith.addi %mul3A_178, %add3A_179 : i32
      %get3A_181 = arith.index_cast %squeeze3A_176 : i32 to index
      %get3A_182 = arith.constant 0 : index
      %get3A_183 = tpu.vector_load %arg19[%get3A_181, %get3A_182] {strides = array<i32>} : memref<3x32xf32, #tpu.memory_space<vmem>>, vector<16xf32>,
      %swap3A_184 = arith.index_cast %add3A_180 : i32 to index
      %swap3A_185 = arith.constant 0 : index
      %swap3A_186 = tpu.vector_load %arg15[%swap3A_184, %swap3A_185] {strides = array<i32>} : memref<512x32xf32, #tpu.memory_space<vmem>>, vector<16xf32>,
      tpu.vector_store %arg15[%swap3A_184, %swap3A_185], %get3A_183 {strides = array<i32>} : memref<512x32xf32, #tpu.memory_space<vmem>>, vector<16xf32>,
      %get3A_187 = arith.index_cast %squeeze3A_176 : i32 to index
      %get3A_188 = arith.constant 16 : index
      %get3A_189 = tpu.vector_load %arg19[%get3A_187, %get3A_188] {strides = array<i32>} : memref<3x32xf32, #tpu.memory_space<vmem>>, vector<16xf32>,
      %swap3A_190 = arith.index_cast %add3A_180 : i32 to index
      %swap3A_191 = arith.constant 16 : index
      %swap3A_192 = tpu.vector_load %arg15[%swap3A_190, %swap3A_191] {strides = array<i32>} : memref<512x32xf32, #tpu.memory_space<vmem>>, vector<16xf32>,
      tpu.vector_store %arg15[%swap3A_190, %swap3A_191], %get3A_189 {strides = array<i32>} : memref<512x32xf32, #tpu.memory_space<vmem>>, vector<16xf32>,
      %slice3A_193 = vector.extract_strided_slice %get3A_123 {offsets = [4], sizes = [1], strides = [1]} : vector<16xi32> to vector<1xi32>
      %squeeze3A_194 = vector.extract %slice3A_193[0] : i32 from vector<1xi32>
      %mul3A_195 = arith.constant 16 : i32
      %mul3A_196 = arith.muli %scan3A_119, %mul3A_195 : i32
      %add3A_197 = arith.constant 4 : i32
      %add3A_198 = arith.addi %mul3A_196, %add3A_197 : i32
      %get3A_199 = arith.index_cast %squeeze3A_194 : i32 to index
      %get3A_200 = arith.constant 0 : index
      %get3A_201 = tpu.vector_load %arg19[%get3A_199, %get3A_200] {strides = array<i32>} : memref<3x32xf32, #tpu.memory_space<vmem>>, vector<16xf32>,
      %swap3A_202 = arith.index_cast %add3A_198 : i32 to index
      %swap3A_203 = arith.constant 0 : index
      %swap3A_204 = tpu.vector_load %arg15[%swap3A_202, %swap3A_203] {strides = array<i32>} : memref<512x32xf32, #tpu.memory_space<vmem>>, vector<16xf32>,
      tpu.vector_store %arg15[%swap3A_202, %swap3A_203], %get3A_201 {strides = array<i32>} : memref<512x32xf32, #tpu.memory_space<vmem>>, vector<16xf32>,
      %get3A_205 = arith.index_cast %squeeze3A_194 : i32 to index
      %get3A_206 = arith.constant 16 : index
      %get3A_207 = tpu.vector_load %arg19[%get3A_205, %get3A_206] {strides = array<i32>} : memref<3x32xf32, #tpu.memory_space<vmem>>, vector<16xf32>,
      %swap3A_208 = arith.index_cast %add3A_198 : i32 to index
      %swap3A_209 = arith.constant 16 : index
      %swap3A_210 = tpu.vector_load %arg15[%swap3A_208, %swap3A_209] {strides = array<i32>} : memref<512x32xf32, #tpu.memory_space<vmem>>, vector<16xf32>,
      tpu.vector_store %arg15[%swap3A_208, %swap3A_209], %get3A_207 {strides = array<i32>} : memref<512x32xf32, #tpu.memory_space<vmem>>, vector<16xf32>,
      %slice3A_211 = vector.extract_strided_slice %get3A_123 {offsets = [5], sizes = [1], strides = [1]} : vector<16xi32> to vector<1xi32>
      %squeeze3A_212 = vector.extract %slice3A_211[0] : i32 from vector<1xi32>
      %mul3A_213 = arith.constant 16 : i32
      %mul3A_214 = arith.muli %scan3A_119, %mul3A_213 : i32
      %add3A_215 = arith.constant 5 : i32
      %add3A_216 = arith.addi %mul3A_214, %add3A_215 : i32
      %get3A_217 = arith.index_cast %squeeze3A_212 : i32 to index
      %get3A_218 = arith.constant 0 : index
      %get3A_219 = tpu.vector_load %arg19[%get3A_217, %get3A_218] {strides = array<i32>} : memref<3x32xf32, #tpu.memory_space<vmem>>, vector<16xf32>,
      %swap3A_220 = arith.index_cast %add3A_216 : i32 to index
      %swap3A_221 = arith.constant 0 : index
      %swap3A_222 = tpu.vector_load %arg15[%swap3A_220, %swap3A_221] {strides = array<i32>} : memref<512x32xf32, #tpu.memory_space<vmem>>, vector<16xf32>,
      tpu.vector_store %arg15[%swap3A_220, %swap3A_221], %get3A_219 {strides = array<i32>} : memref<512x32xf32, #tpu.memory_space<vmem>>, vector<16xf32>,
      %get3A_223 = arith.index_cast %squeeze3A_212 : i32 to index
      %get3A_224 = arith.constant 16 : index
      %get3A_225 = tpu.vector_load %arg19[%get3A_223, %get3A_224] {strides = array<i32>} : memref<3x32xf32, #tpu.memory_space<vmem>>, vector<16xf32>,
      %swap3A_226 = arith.index_cast %add3A_216 : i32 to index
      %swap3A_227 = arith.constant 16 : index
      %swap3A_228 = tpu.vector_load %arg15[%swap3A_226, %swap3A_227] {strides = array<i32>} : memref<512x32xf32, #tpu.memory_space<vmem>>, vector<16xf32>,
      tpu.vector_store %arg15[%swap3A_226, %swap3A_227], %get3A_225 {strides = array<i32>} : memref<512x32xf32, #tpu.memory_space<vmem>>, vector<16xf32>,
      %slice3A_229 = vector.extract_strided_slice %get3A_123 {offsets = [6], sizes = [1], strides = [1]} : vector<16xi32> to vector<1xi32>
      %squeeze3A_230 = vector.extract %slice3A_229[0] : i32 from vector<1xi32>
      %mul3A_231 = arith.constant 16 : i32
      %mul3A_232 = arith.muli %scan3A_119, %mul3A_231 : i32
      %add3A_233 = arith.constant 6 : i32
      %add3A_234 = arith.addi %mul3A_232, %add3A_233 : i32
      %get3A_235 = arith.index_cast %squeeze3A_230 : i32 to index
      %get3A_236 = arith.constant 0 : index
      %get3A_237 = tpu.vector_load %arg19[%get3A_235, %get3A_236] {strides = array<i32>} : memref<3x32xf32, #tpu.memory_space<vmem>>, vector<16xf32>,
      %swap3A_238 = arith.index_cast %add3A_234 : i32 to index
      %swap3A_239 = arith.constant 0 : index
      %swap3A_240 = tpu.vector_load %arg15[%swap3A_238, %swap3A_239] {strides = array<i32>} : memref<512x32xf32, #tpu.memory_space<vmem>>, vector<16xf32>,
      tpu.vector_store %arg15[%swap3A_238, %swap3A_239], %get3A_237 {strides = array<i32>} : memref<512x32xf32, #tpu.memory_space<vmem>>, vector<16xf32>,
      %get3A_241 = arith.index_cast %squeeze3A_230 : i32 to index
      %get3A_242 = arith.constant 16 : index
      %get3A_243 = tpu.vector_load %arg19[%get3A_241, %get3A_242] {strides = array<i32>} : memref<3x32xf32, #tpu.memory_space<vmem>>, vector<16xf32>,
      %swap3A_244 = arith.index_cast %add3A_234 : i32 to index
      %swap3A_245 = arith.constant 16 : index
      %swap3A_246 = tpu.vector_load %arg15[%swap3A_244, %swap3A_245] {strides = array<i32>} : memref<512x32xf32, #tpu.memory_space<vmem>>, vector<16xf32>,
      tpu.vector_store %arg15[%swap3A_244, %swap3A_245], %get3A_243 {strides = array<i32>} : memref<512x32xf32, #tpu.memory_space<vmem>>, vector<16xf32>,
      %slice3A_247 = vector.extract_strided_slice %get3A_123 {offsets = [7], sizes = [1], strides = [1]} : vector<16xi32> to vector<1xi32>
      %squeeze3A_248 = vector.extract %slice3A_247[0] : i32 from vector<1xi32>
      %mul3A_249 = arith.constant 16 : i32
      %mul3A_250 = arith.muli %scan3A_119, %mul3A_249 : i32
      %add3A_251 = arith.constant 7 : i32
      %add3A_252 = arith.addi %mul3A_250, %add3A_251 : i32
      %get3A_253 = arith.index_cast %squeeze3A_248 : i32 to index
      %get3A_254 = arith.constant 0 : index
      %get3A_255 = tpu.vector_load %arg19[%get3A_253, %get3A_254] {strides = array<i32>} : memref<3x32xf32, #tpu.memory_space<vmem>>, vector<16xf32>,
      %swap3A_256 = arith.index_cast %add3A_252 : i32 to index
      %swap3A_257 = arith.constant 0 : index
      %swap3A_258 = tpu.vector_load %arg15[%swap3A_256, %swap3A_257] {strides = array<i32>} : memref<512x32xf32, #tpu.memory_space<vmem>>, vector<16xf32>,
      tpu.vector_store %arg15[%swap3A_256, %swap3A_257], %get3A_255 {strides = array<i32>} : memref<512x32xf32, #tpu.memory_space<vmem>>, vector<16xf32>,
      %get3A_259 = arith.index_cast %squeeze3A_248 : i32 to index
      %get3A_260 = arith.constant 16 : index
      %get3A_261 = tpu.vector_load %arg19[%get3A_259, %get3A_260] {strides = array<i32>} : memref<3x32xf32, #tpu.memory_space<vmem>>, vector<16xf32>,
      %swap3A_262 = arith.index_cast %add3A_252 : i32 to index
      %swap3A_263 = arith.constant 16 : index
      %swap3A_264 = tpu.vector_load %arg15[%swap3A_262, %swap3A_263] {strides = array<i32>} : memref<512x32xf32, #tpu.memory_space<vmem>>, vector<16xf32>,
      tpu.vector_store %arg15[%swap3A_262, %swap3A_263], %get3A_261 {strides = array<i32>} : memref<512x32xf32, #tpu.memory_space<vmem>>, vector<16xf32>,
      %slice3A_265 = vector.extract_strided_slice %get3A_123 {offsets = [8], sizes = [1], strides = [1]} : vector<16xi32> to vector<1xi32>
      %squeeze3A_266 = vector.extract %slice3A_265[0] : i32 from vector<1xi32>
      %mul3A_267 = arith.constant 16 : i32
      %mul3A_268 = arith.muli %scan3A_119, %mul3A_267 : i32
      %add3A_269 = arith.constant 8 : i32
      %add3A_270 = arith.addi %mul3A_268, %add3A_269 : i32
      %get3A_271 = arith.index_cast %squeeze3A_266 : i32 to index
      %get3A_272 = arith.constant 0 : index
      %get3A_273 = tpu.vector_load %arg19[%get3A_271, %get3A_272] {strides = array<i32>} : memref<3x32xf32, #tpu.memory_space<vmem>>, vector<16xf32>,
      %swap3A_274 = arith.index_cast %add3A_270 : i32 to index
      %swap3A_275 = arith.constant 0 : index
      %swap3A_276 = tpu.vector_load %arg15[%swap3A_274, %swap3A_275] {strides = array<i32>} : memref<512x32xf32, #tpu.memory_space<vmem>>, vector<16xf32>,
      tpu.vector_store %arg15[%swap3A_274, %swap3A_275], %get3A_273 {strides = array<i32>} : memref<512x32xf32, #tpu.memory_space<vmem>>, vector<16xf32>,
      %get3A_277 = arith.index_cast %squeeze3A_266 : i32 to index
      %get3A_278 = arith.constant 16 : index
      %get3A_279 = tpu.vector_load %arg19[%get3A_277, %get3A_278] {strides = array<i32>} : memref<3x32xf32, #tpu.memory_space<vmem>>, vector<16xf32>,
      %swap3A_280 = arith.index_cast %add3A_270 : i32 to index
      %swap3A_281 = arith.constant 16 : index
      %swap3A_282 = tpu.vector_load %arg15[%swap3A_280, %swap3A_281] {strides = array<i32>} : memref<512x32xf32, #tpu.memory_space<vmem>>, vector<16xf32>,
      tpu.vector_store %arg15[%swap3A_280, %swap3A_281], %get3A_279 {strides = array<i32>} : memref<512x32xf32, #tpu.memory_space<vmem>>, vector<16xf32>,
      %slice3A_283 = vector.extract_strided_slice %get3A_123 {offsets = [9], sizes = [1], strides = [1]} : vector<16xi32> to vector<1xi32>
      %squeeze3A_284 = vector.extract %slice3A_283[0] : i32 from vector<1xi32>
      %mul3A_285 = arith.constant 16 : i32
      %mul3A_286 = arith.muli %scan3A_119, %mul3A_285 : i32
      %add3A_287 = arith.constant 9 : i32
      %add3A_288 = arith.addi %mul3A_286, %add3A_287 : i32
      %get3A_289 = arith.index_cast %squeeze3A_284 : i32 to index
      %get3A_290 = arith.constant 0 : index
      %get3A_291 = tpu.vector_load %arg19[%get3A_289, %get3A_290] {strides = array<i32>} : memref<3x32xf32, #tpu.memory_space<vmem>>, vector<16xf32>,
      %swap3A_292 = arith.index_cast %add3A_288 : i32 to index
      %swap3A_293 = arith.constant 0 : index
      %swap3A_294 = tpu.vector_load %arg15[%swap3A_292, %swap3A_293] {strides = array<i32>} : memref<512x32xf32, #tpu.memory_space<vmem>>, vector<16xf32>,
      tpu.vector_store %arg15[%swap3A_292, %swap3A_293], %get3A_291 {strides = array<i32>} : memref<512x32xf32, #tpu.memory_space<vmem>>, vector<16xf32>,
      %get3A_295 = arith.index_cast %squeeze3A_284 : i32 to index
      %get3A_296 = arith.constant 16 : index
      %get3A_297 = tpu.vector_load %arg19[%get3A_295, %get3A_296] {strides = array<i32>} : memref<3x32xf32, #tpu.memory_space<vmem>>, vector<16xf32>,
      %swap3A_298 = arith.index_cast %add3A_288 : i32 to index
      %swap3A_299 = arith.constant 16 : index
      %swap3A_300 = tpu.vector_load %arg15[%swap3A_298, %swap3A_299] {strides = array<i32>} : memref<512x32xf32, #tpu.memory_space<vmem>>, vector<16xf32>,
      tpu.vector_store %arg15[%swap3A_298, %swap3A_299], %get3A_297 {strides = array<i32>} : memref<512x32xf32, #tpu.memory_space<vmem>>, vector<16xf32>,
      %slice3A_301 = vector.extract_strided_slice %get3A_123 {offsets = [10], sizes = [1], strides = [1]} : vector<16xi32> to vector<1xi32>
      %squeeze3A_302 = vector.extract %slice3A_301[0] : i32 from vector<1xi32>
      %mul3A_303 = arith.constant 16 : i32
      %mul3A_304 = arith.muli %scan3A_119, %mul3A_303 : i32
      %add3A_305 = arith.constant 10 : i32
      %add3A_306 = arith.addi %mul3A_304, %add3A_305 : i32
      %get3A_307 = arith.index_cast %squeeze3A_302 : i32 to index
      %get3A_308 = arith.constant 0 : index
      %get3A_309 = tpu.vector_load %arg19[%get3A_307, %get3A_308] {strides = array<i32>} : memref<3x32xf32, #tpu.memory_space<vmem>>, vector<16xf32>,
      %swap3A_310 = arith.index_cast %add3A_306 : i32 to index
      %swap3A_311 = arith.constant 0 : index
      %swap3A_312 = tpu.vector_load %arg15[%swap3A_310, %swap3A_311] {strides = array<i32>} : memref<512x32xf32, #tpu.memory_space<vmem>>, vector<16xf32>,
      tpu.vector_store %arg15[%swap3A_310, %swap3A_311], %get3A_309 {strides = array<i32>} : memref<512x32xf32, #tpu.memory_space<vmem>>, vector<16xf32>,
      %get3A_313 = arith.index_cast %squeeze3A_302 : i32 to index
      %get3A_314 = arith.constant 16 : index
      %get3A_315 = tpu.vector_load %arg19[%get3A_313, %get3A_314] {strides = array<i32>} : memref<3x32xf32, #tpu.memory_space<vmem>>, vector<16xf32>,
      %swap3A_316 = arith.index_cast %add3A_306 : i32 to index
      %swap3A_317 = arith.constant 16 : index
      %swap3A_318 = tpu.vector_load %arg15[%swap3A_316, %swap3A_317] {strides = array<i32>} : memref<512x32xf32, #tpu.memory_space<vmem>>, vector<16xf32>,
      tpu.vector_store %arg15[%swap3A_316, %swap3A_317], %get3A_315 {strides = array<i32>} : memref<512x32xf32, #tpu.memory_space<vmem>>, vector<16xf32>,
      %slice3A_319 = vector.extract_strided_slice %get3A_123 {offsets = [11], sizes = [1], strides = [1]} : vector<16xi32> to vector<1xi32>
      %squeeze3A_320 = vector.extract %slice3A_319[0] : i32 from vector<1xi32>
      %mul3A_321 = arith.constant 16 : i32
      %mul3A_322 = arith.muli %scan3A_119, %mul3A_321 : i32
      %add3A_323 = arith.constant 11 : i32
      %add3A_324 = arith.addi %mul3A_322, %add3A_323 : i32
      %get3A_325 = arith.index_cast %squeeze3A_320 : i32 to index
      %get3A_326 = arith.constant 0 : index
      %get3A_327 = tpu.vector_load %arg19[%get3A_325, %get3A_326] {strides = array<i32>} : memref<3x32xf32, #tpu.memory_space<vmem>>, vector<16xf32>,
      %swap3A_328 = arith.index_cast %add3A_324 : i32 to index
      %swap3A_329 = arith.constant 0 : index
      %swap3A_330 = tpu.vector_load %arg15[%swap3A_328, %swap3A_329] {strides = array<i32>} : memref<512x32xf32, #tpu.memory_space<vmem>>, vector<16xf32>,
      tpu.vector_store %arg15[%swap3A_328, %swap3A_329], %get3A_327 {strides = array<i32>} : memref<512x32xf32, #tpu.memory_space<vmem>>, vector<16xf32>,
      %get3A_331 = arith.index_cast %squeeze3A_320 : i32 to index
      %get3A_332 = arith.constant 16 : index
      %get3A_333 = tpu.vector_load %arg19[%get3A_331, %get3A_332] {strides = array<i32>} : memref<3x32xf32, #tpu.memory_space<vmem>>, vector<16xf32>,
      %swap3A_334 = arith.index_cast %add3A_324 : i32 to index
      %swap3A_335 = arith.constant 16 : index
      %swap3A_336 = tpu.vector_load %arg15[%swap3A_334, %swap3A_335] {strides = array<i32>} : memref<512x32xf32, #tpu.memory_space<vmem>>, vector<16xf32>,
      tpu.vector_store %arg15[%swap3A_334, %swap3A_335], %get3A_333 {strides = array<i32>} : memref<512x32xf32, #tpu.memory_space<vmem>>, vector<16xf32>,
      %slice3A_337 = vector.extract_strided_slice %get3A_123 {offsets = [12], sizes = [1], strides = [1]} : vector<16xi32> to vector<1xi32>
      %squeeze3A_338 = vector.extract %slice3A_337[0] : i32 from vector<1xi32>
      %mul3A_339 = arith.constant 16 : i32
      %mul3A_340 = arith.muli %scan3A_119, %mul3A_339 : i32
      %add3A_341 = arith.constant 12 : i32
      %add3A_342 = arith.addi %mul3A_340, %add3A_341 : i32
      %get3A_343 = arith.index_cast %squeeze3A_338 : i32 to index
      %get3A_344 = arith.constant 0 : index
      %get3A_345 = tpu.vector_load %arg19[%get3A_343, %get3A_344] {strides = array<i32>} : memref<3x32xf32, #tpu.memory_space<vmem>>, vector<16xf32>,
      %swap3A_346 = arith.index_cast %add3A_342 : i32 to index
      %swap3A_347 = arith.constant 0 : index
      %swap3A_348 = tpu.vector_load %arg15[%swap3A_346, %swap3A_347] {strides = array<i32>} : memref<512x32xf32, #tpu.memory_space<vmem>>, vector<16xf32>,
      tpu.vector_store %arg15[%swap3A_346, %swap3A_347], %get3A_345 {strides = array<i32>} : memref<512x32xf32, #tpu.memory_space<vmem>>, vector<16xf32>,
      %get3A_349 = arith.index_cast %squeeze3A_338 : i32 to index
      %get3A_350 = arith.constant 16 : index
      %get3A_351 = tpu.vector_load %arg19[%get3A_349, %get3A_350] {strides = array<i32>} : memref<3x32xf32, #tpu.memory_space<vmem>>, vector<16xf32>,
      %swap3A_352 = arith.index_cast %add3A_342 : i32 to index
      %swap3A_353 = arith.constant 16 : index
      %swap3A_354 = tpu.vector_load %arg15[%swap3A_352, %swap3A_353] {strides = array<i32>} : memref<512x32xf32, #tpu.memory_space<vmem>>, vector<16xf32>,
      tpu.vector_store %arg15[%swap3A_352, %swap3A_353], %get3A_351 {strides = array<i32>} : memref<512x32xf32, #tpu.memory_space<vmem>>, vector<16xf32>,
      %slice3A_355 = vector.extract_strided_slice %get3A_123 {offsets = [13], sizes = [1], strides = [1]} : vector<16xi32> to vector<1xi32>
      %squeeze3A_356 = vector.extract %slice3A_355[0] : i32 from vector<1xi32>
      %mul3A_357 = arith.constant 16 : i32
      %mul3A_358 = arith.muli %scan3A_119, %mul3A_357 : i32
      %add3A_359 = arith.constant 13 : i32
      %add3A_360 = arith.addi %mul3A_358, %add3A_359 : i32
      %get3A_361 = arith.index_cast %squeeze3A_356 : i32 to index
      %get3A_362 = arith.constant 0 : index
      %get3A_363 = tpu.vector_load %arg19[%get3A_361, %get3A_362] {strides = array<i32>} : memref<3x32xf32, #tpu.memory_space<vmem>>, vector<16xf32>,
      %swap3A_364 = arith.index_cast %add3A_360 : i32 to index
      %swap3A_365 = arith.constant 0 : index
      %swap3A_366 = tpu.vector_load %arg15[%swap3A_364, %swap3A_365] {strides = array<i32>} : memref<512x32xf32, #tpu.memory_space<vmem>>, vector<16xf32>,
      tpu.vector_store %arg15[%swap3A_364, %swap3A_365], %get3A_363 {strides = array<i32>} : memref<512x32xf32, #tpu.memory_space<vmem>>, vector<16xf32>,
      %get3A_367 = arith.index_cast %squeeze3A_356 : i32 to index
      %get3A_368 = arith.constant 16 : index
      %get3A_369 = tpu.vector_load %arg19[%get3A_367, %get3A_368] {strides = array<i32>} : memref<3x32xf32, #tpu.memory_space<vmem>>, vector<16xf32>,
      %swap3A_370 = arith.index_cast %add3A_360 : i32 to index
      %swap3A_371 = arith.constant 16 : index
      %swap3A_372 = tpu.vector_load %arg15[%swap3A_370, %swap3A_371] {strides = array<i32>} : memref<512x32xf32, #tpu.memory_space<vmem>>, vector<16xf32>,
      tpu.vector_store %arg15[%swap3A_370, %swap3A_371], %get3A_369 {strides = array<i32>} : memref<512x32xf32, #tpu.memory_space<vmem>>, vector<16xf32>,
      %slice3A_373 = vector.extract_strided_slice %get3A_123 {offsets = [14], sizes = [1], strides = [1]} : vector<16xi32> to vector<1xi32>
      %squeeze3A_374 = vector.extract %slice3A_373[0] : i32 from vector<1xi32>
      %mul3A_375 = arith.constant 16 : i32
      %mul3A_376 = arith.muli %scan3A_119, %mul3A_375 : i32
      %add3A_377 = arith.constant 14 : i32
      %add3A_378 = arith.addi %mul3A_376, %add3A_377 : i32
      %get3A_379 = arith.index_cast %squeeze3A_374 : i32 to index
      %get3A_380 = arith.constant 0 : index
      %get3A_381 = tpu.vector_load %arg19[%get3A_379, %get3A_380] {strides = array<i32>} : memref<3x32xf32, #tpu.memory_space<vmem>>, vector<16xf32>,
      %swap3A_382 = arith.index_cast %add3A_378 : i32 to index
      %swap3A_383 = arith.constant 0 : index
      %swap3A_384 = tpu.vector_load %arg15[%swap3A_382, %swap3A_383] {strides = array<i32>} : memref<512x32xf32, #tpu.memory_space<vmem>>, vector<16xf32>,
      tpu.vector_store %arg15[%swap3A_382, %swap3A_383], %get3A_381 {strides = array<i32>} : memref<512x32xf32, #tpu.memory_space<vmem>>, vector<16xf32>,
      %get3A_385 = arith.index_cast %squeeze3A_374 : i32 to index
      %get3A_386 = arith.constant 16 : index
      %get3A_387 = tpu.vector_load %arg19[%get3A_385, %get3A_386] {strides = array<i32>} : memref<3x32xf32, #tpu.memory_space<vmem>>, vector<16xf32>,
      %swap3A_388 = arith.index_cast %add3A_378 : i32 to index
      %swap3A_389 = arith.constant 16 : index
      %swap3A_390 = tpu.vector_load %arg15[%swap3A_388, %swap3A_389] {strides = array<i32>} : memref<512x32xf32, #tpu.memory_space<vmem>>, vector<16xf32>,
      tpu.vector_store %arg15[%swap3A_388, %swap3A_389], %get3A_387 {strides = array<i32>} : memref<512x32xf32, #tpu.memory_space<vmem>>, vector<16xf32>,
      %slice3A_391 = vector.extract_strided_slice %get3A_123 {offsets = [15], sizes = [1], strides = [1]} : vector<16xi32> to vector<1xi32>
      %squeeze3A_392 = vector.extract %slice3A_391[0] : i32 from vector<1xi32>
      %mul3A_393 = arith.constant 16 : i32
      %mul3A_394 = arith.muli %scan3A_119, %mul3A_393 : i32
      %add3A_395 = arith.constant 15 : i32
      %add3A_396 = arith.addi %mul3A_394, %add3A_395 : i32
      %get3A_397 = arith.index_cast %squeeze3A_392 : i32 to index
      %get3A_398 = arith.constant 0 : index
      %get3A_399 = tpu.vector_load %arg19[%get3A_397, %get3A_398] {strides = array<i32>} : memref<3x32xf32, #tpu.memory_space<vmem>>, vector<16xf32>,
      %swap3A_400 = arith.index_cast %add3A_396 : i32 to index
      %swap3A_401 = arith.constant 0 : index
      %swap3A_402 = tpu.vector_load %arg15[%swap3A_400, %swap3A_401] {strides = array<i32>} : memref<512x32xf32, #tpu.memory_space<vmem>>, vector<16xf32>,
      tpu.vector_store %arg15[%swap3A_400, %swap3A_401], %get3A_399 {strides = array<i32>} : memref<512x32xf32, #tpu.memory_space<vmem>>, vector<16xf32>,
      %get3A_403 = arith.index_cast %squeeze3A_392 : i32 to index
      %get3A_404 = arith.constant 16 : index
      %get3A_405 = tpu.vector_load %arg19[%get3A_403, %get3A_404] {strides = array<i32>} : memref<3x32xf32, #tpu.memory_space<vmem>>, vector<16xf32>,
      %swap3A_406 = arith.index_cast %add3A_396 : i32 to index
      %swap3A_407 = arith.constant 16 : index
      %swap3A_408 = tpu.vector_load %arg15[%swap3A_406, %swap3A_407] {strides = array<i32>} : memref<512x32xf32, #tpu.memory_space<vmem>>, vector<16xf32>,
      tpu.vector_store %arg15[%swap3A_406, %swap3A_407], %get3A_405 {strides = array<i32>} : memref<512x32xf32, #tpu.memory_space<vmem>>, vector<16xf32>,
      %mul3A_409 = arith.constant 16 : i32
      %mul3A_410 = arith.muli %scan3A_119, %mul3A_409 : i32
      %get3A_411 = arith.index_cast %mul3A_410 : i32 to index
      %get3A_412 = tpu.vector_load %arg12[%get3A_411] {strides = array<i32>} : memref<512xi32, #tpu.memory_space<vmem>>, vector<16xi32>,
      %slice3A_413 = vector.extract_strided_slice %get3A_412 {offsets = [0], sizes = [1], strides = [1]} : vector<16xi32> to vector<1xi32>
      %squeeze3A_414 = vector.extract %slice3A_413[0] : i32 from vector<1xi32>
      %mul3A_415 = arith.constant 16 : i32
      %mul3A_416 = arith.muli %scan3A_119, %mul3A_415 : i32
      %add3A_417 = arith.constant 0 : i32
      %add3A_418 = arith.addi %mul3A_416, %add3A_417 : i32
      %get3A_419 = arith.index_cast %squeeze3A_414 : i32 to index
      %get3A_420 = arith.constant 0 : index
      %get3A_421 = tpu.vector_load %arg20[%get3A_419, %get3A_420] {strides = array<i32>} : memref<8x32xf32, #tpu.memory_space<vmem>>, vector<16xf32>,
      %swap3A_422 = arith.index_cast %add3A_418 : i32 to index
      %swap3A_423 = arith.constant 0 : index
      %swap3A_424 = tpu.vector_load %arg16[%swap3A_422, %swap3A_423] {strides = array<i32>} : memref<512x32xf32, #tpu.memory_space<vmem>>, vector<16xf32>,
      tpu.vector_store %arg16[%swap3A_422, %swap3A_423], %get3A_421 {strides = array<i32>} : memref<512x32xf32, #tpu.memory_space<vmem>>, vector<16xf32>,
      %get3A_425 = arith.index_cast %squeeze3A_414 : i32 to index
      %get3A_426 = arith.constant 16 : index
      %get3A_427 = tpu.vector_load %arg20[%get3A_425, %get3A_426] {strides = array<i32>} : memref<8x32xf32, #tpu.memory_space<vmem>>, vector<16xf32>,
      %swap3A_428 = arith.index_cast %add3A_418 : i32 to index
      %swap3A_429 = arith.constant 16 : index
      %swap3A_430 = tpu.vector_load %arg16[%swap3A_428, %swap3A_429] {strides = array<i32>} : memref<512x32xf32, #tpu.memory_space<vmem>>, vector<16xf32>,
      tpu.vector_store %arg16[%swap3A_428, %swap3A_429], %get3A_427 {strides = array<i32>} : memref<512x32xf32, #tpu.memory_space<vmem>>, vector<16xf32>,
      %slice3A_431 = vector.extract_strided_slice %get3A_412 {offsets = [1], sizes = [1], strides = [1]} : vector<16xi32> to vector<1xi32>
      %squeeze3A_432 = vector.extract %slice3A_431[0] : i32 from vector<1xi32>
      %mul3A_433 = arith.constant 16 : i32
      %mul3A_434 = arith.muli %scan3A_119, %mul3A_433 : i32
      %add3A_435 = arith.constant 1 : i32
      %add3A_436 = arith.addi %mul3A_434, %add3A_435 : i32
      %get3A_437 = arith.index_cast %squeeze3A_432 : i32 to index
      %get3A_438 = arith.constant 0 : index
      %get3A_439 = tpu.vector_load %arg20[%get3A_437, %get3A_438] {strides = array<i32>} : memref<8x32xf32, #tpu.memory_space<vmem>>, vector<16xf32>,
      %swap3A_440 = arith.index_cast %add3A_436 : i32 to index
      %swap3A_441 = arith.constant 0 : index
      %swap3A_442 = tpu.vector_load %arg16[%swap3A_440, %swap3A_441] {strides = array<i32>} : memref<512x32xf32, #tpu.memory_space<vmem>>, vector<16xf32>,
      tpu.vector_store %arg16[%swap3A_440, %swap3A_441], %get3A_439 {strides = array<i32>} : memref<512x32xf32, #tpu.memory_space<vmem>>, vector<16xf32>,
      %get3A_443 = arith.index_cast %squeeze3A_432 : i32 to index
      %get3A_444 = arith.constant 16 : index
      %get3A_445 = tpu.vector_load %arg20[%get3A_443, %get3A_444] {strides = array<i32>} : memref<8x32xf32, #tpu.memory_space<vmem>>, vector<16xf32>,
      %swap3A_446 = arith.index_cast %add3A_436 : i32 to index
      %swap3A_447 = arith.constant 16 : index
      %swap3A_448 = tpu.vector_load %arg16[%swap3A_446, %swap3A_447] {strides = array<i32>} : memref<512x32xf32, #tpu.memory_space<vmem>>, vector<16xf32>,
      tpu.vector_store %arg16[%swap3A_446, %swap3A_447], %get3A_445 {strides = array<i32>} : memref<512x32xf32, #tpu.memory_space<vmem>>, vector<16xf32>,
      %slice3A_449 = vector.extract_strided_slice %get3A_412 {offsets = [2], sizes = [1], strides = [1]} : vector<16xi32> to vector<1xi32>
      %squeeze3A_450 = vector.extract %slice3A_449[0] : i32 from vector<1xi32>
      %mul3A_451 = arith.constant 16 : i32
      %mul3A_452 = arith.muli %scan3A_119, %mul3A_451 : i32
      %add3A_453 = arith.constant 2 : i32
      %add3A_454 = arith.addi %mul3A_452, %add3A_453 : i32
      %get3A_455 = arith.index_cast %squeeze3A_450 : i32 to index
      %get3A_456 = arith.constant 0 : index
      %get3A_457 = tpu.vector_load %arg20[%get3A_455, %get3A_456] {strides = array<i32>} : memref<8x32xf32, #tpu.memory_space<vmem>>, vector<16xf32>,
      %swap3A_458 = arith.index_cast %add3A_454 : i32 to index
      %swap3A_459 = arith.constant 0 : index
      %swap3A_460 = tpu.vector_load %arg16[%swap3A_458, %swap3A_459] {strides = array<i32>} : memref<512x32xf32, #tpu.memory_space<vmem>>, vector<16xf32>,
      tpu.vector_store %arg16[%swap3A_458, %swap3A_459], %get3A_457 {strides = array<i32>} : memref<512x32xf32, #tpu.memory_space<vmem>>, vector<16xf32>,
      %get3A_461 = arith.index_cast %squeeze3A_450 : i32 to index
      %get3A_462 = arith.constant 16 : index
      %get3A_463 = tpu.vector_load %arg20[%get3A_461, %get3A_462] {strides = array<i32>} : memref<8x32xf32, #tpu.memory_space<vmem>>, vector<16xf32>,
      %swap3A_464 = arith.index_cast %add3A_454 : i32 to index
      %swap3A_465 = arith.constant 16 : index
      %swap3A_466 = tpu.vector_load %arg16[%swap3A_464, %swap3A_465] {strides = array<i32>} : memref<512x32xf32, #tpu.memory_space<vmem>>, vector<16xf32>,
      tpu.vector_store %arg16[%swap3A_464, %swap3A_465], %get3A_463 {strides = array<i32>} : memref<512x32xf32, #tpu.memory_space<vmem>>, vector<16xf32>,
      %slice3A_467 = vector.extract_strided_slice %get3A_412 {offsets = [3], sizes = [1], strides = [1]} : vector<16xi32> to vector<1xi32>
      %squeeze3A_468 = vector.extract %slice3A_467[0] : i32 from vector<1xi32>
      %mul3A_469 = arith.constant 16 : i32
      %mul3A_470 = arith.muli %scan3A_119, %mul3A_469 : i32
      %add3A_471 = arith.constant 3 : i32
      %add3A_472 = arith.addi %mul3A_470, %add3A_471 : i32
      %get3A_473 = arith.index_cast %squeeze3A_468 : i32 to index
      %get3A_474 = arith.constant 0 : index
      %get3A_475 = tpu.vector_load %arg20[%get3A_473, %get3A_474] {strides = array<i32>} : memref<8x32xf32, #tpu.memory_space<vmem>>, vector<16xf32>,
      %swap3A_476 = arith.index_cast %add3A_472 : i32 to index
      %swap3A_477 = arith.constant 0 : index
      %swap3A_478 = tpu.vector_load %arg16[%swap3A_476, %swap3A_477] {strides = array<i32>} : memref<512x32xf32, #tpu.memory_space<vmem>>, vector<16xf32>,
      tpu.vector_store %arg16[%swap3A_476, %swap3A_477], %get3A_475 {strides = array<i32>} : memref<512x32xf32, #tpu.memory_space<vmem>>, vector<16xf32>,
      %get3A_479 = arith.index_cast %squeeze3A_468 : i32 to index
      %get3A_480 = arith.constant 16 : index
      %get3A_481 = tpu.vector_load %arg20[%get3A_479, %get3A_480] {strides = array<i32>} : memref<8x32xf32, #tpu.memory_space<vmem>>, vector<16xf32>,
      %swap3A_482 = arith.index_cast %add3A_472 : i32 to index
      %swap3A_483 = arith.constant 16 : index
      %swap3A_484 = tpu.vector_load %arg16[%swap3A_482, %swap3A_483] {strides = array<i32>} : memref<512x32xf32, #tpu.memory_space<vmem>>, vector<16xf32>,
      tpu.vector_store %arg16[%swap3A_482, %swap3A_483], %get3A_481 {strides = array<i32>} : memref<512x32xf32, #tpu.memory_space<vmem>>, vector<16xf32>,
      %slice3A_485 = vector.extract_strided_slice %get3A_412 {offsets = [4], sizes = [1], strides = [1]} : vector<16xi32> to vector<1xi32>
      %squeeze3A_486 = vector.extract %slice3A_485[0] : i32 from vector<1xi32>
      %mul3A_487 = arith.constant 16 : i32
      %mul3A_488 = arith.muli %scan3A_119, %mul3A_487 : i32
      %add3A_489 = arith.constant 4 : i32
      %add3A_490 = arith.addi %mul3A_488, %add3A_489 : i32
      %get3A_491 = arith.index_cast %squeeze3A_486 : i32 to index
      %get3A_492 = arith.constant 0 : index
      %get3A_493 = tpu.vector_load %arg20[%get3A_491, %get3A_492] {strides = array<i32>} : memref<8x32xf32, #tpu.memory_space<vmem>>, vector<16xf32>,
      %swap3A_494 = arith.index_cast %add3A_490 : i32 to index
      %swap3A_495 = arith.constant 0 : index
      %swap3A_496 = tpu.vector_load %arg16[%swap3A_494, %swap3A_495] {strides = array<i32>} : memref<512x32xf32, #tpu.memory_space<vmem>>, vector<16xf32>,
      tpu.vector_store %arg16[%swap3A_494, %swap3A_495], %get3A_493 {strides = array<i32>} : memref<512x32xf32, #tpu.memory_space<vmem>>, vector<16xf32>,
      %get3A_497 = arith.index_cast %squeeze3A_486 : i32 to index
      %get3A_498 = arith.constant 16 : index
      %get3A_499 = tpu.vector_load %arg20[%get3A_497, %get3A_498] {strides = array<i32>} : memref<8x32xf32, #tpu.memory_space<vmem>>, vector<16xf32>,
      %swap3A_500 = arith.index_cast %add3A_490 : i32 to index
      %swap3A_501 = arith.constant 16 : index
      %swap3A_502 = tpu.vector_load %arg16[%swap3A_500, %swap3A_501] {strides = array<i32>} : memref<512x32xf32, #tpu.memory_space<vmem>>, vector<16xf32>,
      tpu.vector_store %arg16[%swap3A_500, %swap3A_501], %get3A_499 {strides = array<i32>} : memref<512x32xf32, #tpu.memory_space<vmem>>, vector<16xf32>,
      %slice3A_503 = vector.extract_strided_slice %get3A_412 {offsets = [5], sizes = [1], strides = [1]} : vector<16xi32> to vector<1xi32>
      %squeeze3A_504 = vector.extract %slice3A_503[0] : i32 from vector<1xi32>
      %mul3A_505 = arith.constant 16 : i32
      %mul3A_506 = arith.muli %scan3A_119, %mul3A_505 : i32
      %add3A_507 = arith.constant 5 : i32
      %add3A_508 = arith.addi %mul3A_506, %add3A_507 : i32
      %get3A_509 = arith.index_cast %squeeze3A_504 : i32 to index
      %get3A_510 = arith.constant 0 : index
      %get3A_511 = tpu.vector_load %arg20[%get3A_509, %get3A_510] {strides = array<i32>} : memref<8x32xf32, #tpu.memory_space<vmem>>, vector<16xf32>,
      %swap3A_512 = arith.index_cast %add3A_508 : i32 to index
      %swap3A_513 = arith.constant 0 : index
      %swap3A_514 = tpu.vector_load %arg16[%swap3A_512, %swap3A_513] {strides = array<i32>} : memref<512x32xf32, #tpu.memory_space<vmem>>, vector<16xf32>,
      tpu.vector_store %arg16[%swap3A_512, %swap3A_513], %get3A_511 {strides = array<i32>} : memref<512x32xf32, #tpu.memory_space<vmem>>, vector<16xf32>,
      %get3A_515 = arith.index_cast %squeeze3A_504 : i32 to index
      %get3A_516 = arith.constant 16 : index
      %get3A_517 = tpu.vector_load %arg20[%get3A_515, %get3A_516] {strides = array<i32>} : memref<8x32xf32, #tpu.memory_space<vmem>>, vector<16xf32>,
      %swap3A_518 = arith.index_cast %add3A_508 : i32 to index
      %swap3A_519 = arith.constant 16 : index
      %swap3A_520 = tpu.vector_load %arg16[%swap3A_518, %swap3A_519] {strides = array<i32>} : memref<512x32xf32, #tpu.memory_space<vmem>>, vector<16xf32>,
      tpu.vector_store %arg16[%swap3A_518, %swap3A_519], %get3A_517 {strides = array<i32>} : memref<512x32xf32, #tpu.memory_space<vmem>>, vector<16xf32>,
      %slice3A_521 = vector.extract_strided_slice %get3A_412 {offsets = [6], sizes = [1], strides = [1]} : vector<16xi32> to vector<1xi32>
      %squeeze3A_522 = vector.extract %slice3A_521[0] : i32 from vector<1xi32>
      %mul3A_523 = arith.constant 16 : i32
      %mul3A_524 = arith.muli %scan3A_119, %mul3A_523 : i32
      %add3A_525 = arith.constant 6 : i32
      %add3A_526 = arith.addi %mul3A_524, %add3A_525 : i32
      %get3A_527 = arith.index_cast %squeeze3A_522 : i32 to index
      %get3A_528 = arith.constant 0 : index
      %get3A_529 = tpu.vector_load %arg20[%get3A_527, %get3A_528] {strides = array<i32>} : memref<8x32xf32, #tpu.memory_space<vmem>>, vector<16xf32>,
      %swap3A_530 = arith.index_cast %add3A_526 : i32 to index
      %swap3A_531 = arith.constant 0 : index
      %swap3A_532 = tpu.vector_load %arg16[%swap3A_530, %swap3A_531] {strides = array<i32>} : memref<512x32xf32, #tpu.memory_space<vmem>>, vector<16xf32>,
      tpu.vector_store %arg16[%swap3A_530, %swap3A_531], %get3A_529 {strides = array<i32>} : memref<512x32xf32, #tpu.memory_space<vmem>>, vector<16xf32>,
      %get3A_533 = arith.index_cast %squeeze3A_522 : i32 to index
      %get3A_534 = arith.constant 16 : index
      %get3A_535 = tpu.vector_load %arg20[%get3A_533, %get3A_534] {strides = array<i32>} : memref<8x32xf32, #tpu.memory_space<vmem>>, vector<16xf32>,
      %swap3A_536 = arith.index_cast %add3A_526 : i32 to index
      %swap3A_537 = arith.constant 16 : index
      %swap3A_538 = tpu.vector_load %arg16[%swap3A_536, %swap3A_537] {strides = array<i32>} : memref<512x32xf32, #tpu.memory_space<vmem>>, vector<16xf32>,
      tpu.vector_store %arg16[%swap3A_536, %swap3A_537], %get3A_535 {strides = array<i32>} : memref<512x32xf32, #tpu.memory_space<vmem>>, vector<16xf32>,
      %slice3A_539 = vector.extract_strided_slice %get3A_412 {offsets = [7], sizes = [1], strides = [1]} : vector<16xi32> to vector<1xi32>
      %squeeze3A_540 = vector.extract %slice3A_539[0] : i32 from vector<1xi32>
      %mul3A_541 = arith.constant 16 : i32
      %mul3A_542 = arith.muli %scan3A_119, %mul3A_541 : i32
      %add3A_543 = arith.constant 7 : i32
      %add3A_544 = arith.addi %mul3A_542, %add3A_543 : i32
      %get3A_545 = arith.index_cast %squeeze3A_540 : i32 to index
      %get3A_546 = arith.constant 0 : index
      %get3A_547 = tpu.vector_load %arg20[%get3A_545, %get3A_546] {strides = array<i32>} : memref<8x32xf32, #tpu.memory_space<vmem>>, vector<16xf32>,
      %swap3A_548 = arith.index_cast %add3A_544 : i32 to index
      %swap3A_549 = arith.constant 0 : index
      %swap3A_550 = tpu.vector_load %arg16[%swap3A_548, %swap3A_549] {strides = array<i32>} : memref<512x32xf32, #tpu.memory_space<vmem>>, vector<16xf32>,
      tpu.vector_store %arg16[%swap3A_548, %swap3A_549], %get3A_547 {strides = array<i32>} : memref<512x32xf32, #tpu.memory_space<vmem>>, vector<16xf32>,
      %get3A_551 = arith.index_cast %squeeze3A_540 : i32 to index
      %get3A_552 = arith.constant 16 : index
      %get3A_553 = tpu.vector_load %arg20[%get3A_551, %get3A_552] {strides = array<i32>} : memref<8x32xf32, #tpu.memory_space<vmem>>, vector<16xf32>,
      %swap3A_554 = arith.index_cast %add3A_544 : i32 to index
      %swap3A_555 = arith.constant 16 : index
      %swap3A_556 = tpu.vector_load %arg16[%swap3A_554, %swap3A_555] {strides = array<i32>} : memref<512x32xf32, #tpu.memory_space<vmem>>, vector<16xf32>,
      tpu.vector_store %arg16[%swap3A_554, %swap3A_555], %get3A_553 {strides = array<i32>} : memref<512x32xf32, #tpu.memory_space<vmem>>, vector<16xf32>,
      %slice3A_557 = vector.extract_strided_slice %get3A_412 {offsets = [8], sizes = [1], strides = [1]} : vector<16xi32> to vector<1xi32>
      %squeeze3A_558 = vector.extract %slice3A_557[0] : i32 from vector<1xi32>
      %mul3A_559 = arith.constant 16 : i32
      %mul3A_560 = arith.muli %scan3A_119, %mul3A_559 : i32
      %add3A_561 = arith.constant 8 : i32
      %add3A_562 = arith.addi %mul3A_560, %add3A_561 : i32
      %get3A_563 = arith.index_cast %squeeze3A_558 : i32 to index
      %get3A_564 = arith.constant 0 : index
      %get3A_565 = tpu.vector_load %arg20[%get3A_563, %get3A_564] {strides = array<i32>} : memref<8x32xf32, #tpu.memory_space<vmem>>, vector<16xf32>,
      %swap3A_566 = arith.index_cast %add3A_562 : i32 to index
      %swap3A_567 = arith.constant 0 : index
      %swap3A_568 = tpu.vector_load %arg16[%swap3A_566, %swap3A_567] {strides = array<i32>} : memref<512x32xf32, #tpu.memory_space<vmem>>, vector<16xf32>,
      tpu.vector_store %arg16[%swap3A_566, %swap3A_567], %get3A_565 {strides = array<i32>} : memref<512x32xf32, #tpu.memory_space<vmem>>, vector<16xf32>,
      %get3A_569 = arith.index_cast %squeeze3A_558 : i32 to index
      %get3A_570 = arith.constant 16 : index
      %get3A_571 = tpu.vector_load %arg20[%get3A_569, %get3A_570] {strides = array<i32>} : memref<8x32xf32, #tpu.memory_space<vmem>>, vector<16xf32>,
      %swap3A_572 = arith.index_cast %add3A_562 : i32 to index
      %swap3A_573 = arith.constant 16 : index
      %swap3A_574 = tpu.vector_load %arg16[%swap3A_572, %swap3A_573] {strides = array<i32>} : memref<512x32xf32, #tpu.memory_space<vmem>>, vector<16xf32>,
      tpu.vector_store %arg16[%swap3A_572, %swap3A_573], %get3A_571 {strides = array<i32>} : memref<512x32xf32, #tpu.memory_space<vmem>>, vector<16xf32>,
      %slice3A_575 = vector.extract_strided_slice %get3A_412 {offsets = [9], sizes = [1], strides = [1]} : vector<16xi32> to vector<1xi32>
      %squeeze3A_576 = vector.extract %slice3A_575[0] : i32 from vector<1xi32>
      %mul3A_577 = arith.constant 16 : i32
      %mul3A_578 = arith.muli %scan3A_119, %mul3A_577 : i32
      %add3A_579 = arith.constant 9 : i32
      %add3A_580 = arith.addi %mul3A_578, %add3A_579 : i32
      %get3A_581 = arith.index_cast %squeeze3A_576 : i32 to index
      %get3A_582 = arith.constant 0 : index
      %get3A_583 = tpu.vector_load %arg20[%get3A_581, %get3A_582] {strides = array<i32>} : memref<8x32xf32, #tpu.memory_space<vmem>>, vector<16xf32>,
      %swap3A_584 = arith.index_cast %add3A_580 : i32 to index
      %swap3A_585 = arith.constant 0 : index
      %swap3A_586 = tpu.vector_load %arg16[%swap3A_584, %swap3A_585] {strides = array<i32>} : memref<512x32xf32, #tpu.memory_space<vmem>>, vector<16xf32>,
      tpu.vector_store %arg16[%swap3A_584, %swap3A_585], %get3A_583 {strides = array<i32>} : memref<512x32xf32, #tpu.memory_space<vmem>>, vector<16xf32>,
      %get3A_587 = arith.index_cast %squeeze3A_576 : i32 to index
      %get3A_588 = arith.constant 16 : index
      %get3A_589 = tpu.vector_load %arg20[%get3A_587, %get3A_588] {strides = array<i32>} : memref<8x32xf32, #tpu.memory_space<vmem>>, vector<16xf32>,
      %swap3A_590 = arith.index_cast %add3A_580 : i32 to index
      %swap3A_591 = arith.constant 16 : index
      %swap3A_592 = tpu.vector_load %arg16[%swap3A_590, %swap3A_591] {strides = array<i32>} : memref<512x32xf32, #tpu.memory_space<vmem>>, vector<16xf32>,
      tpu.vector_store %arg16[%swap3A_590, %swap3A_591], %get3A_589 {strides = array<i32>} : memref<512x32xf32, #tpu.memory_space<vmem>>, vector<16xf32>,
      %slice3A_593 = vector.extract_strided_slice %get3A_412 {offsets = [10], sizes = [1], strides = [1]} : vector<16xi32> to vector<1xi32>
      %squeeze3A_594 = vector.extract %slice3A_593[0] : i32 from vector<1xi32>
      %mul3A_595 = arith.constant 16 : i32
      %mul3A_596 = arith.muli %scan3A_119, %mul3A_595 : i32
      %add3A_597 = arith.constant 10 : i32
      %add3A_598 = arith.addi %mul3A_596, %add3A_597 : i32
      %get3A_599 = arith.index_cast %squeeze3A_594 : i32 to index
      %get3A_600 = arith.constant 0 : index
      %get3A_601 = tpu.vector_load %arg20[%get3A_599, %get3A_600] {strides = array<i32>} : memref<8x32xf32, #tpu.memory_space<vmem>>, vector<16xf32>,
      %swap3A_602 = arith.index_cast %add3A_598 : i32 to index
      %swap3A_603 = arith.constant 0 : index
      %swap3A_604 = tpu.vector_load %arg16[%swap3A_602, %swap3A_603] {strides = array<i32>} : memref<512x32xf32, #tpu.memory_space<vmem>>, vector<16xf32>,
      tpu.vector_store %arg16[%swap3A_602, %swap3A_603], %get3A_601 {strides = array<i32>} : memref<512x32xf32, #tpu.memory_space<vmem>>, vector<16xf32>,
      %get3A_605 = arith.index_cast %squeeze3A_594 : i32 to index
      %get3A_606 = arith.constant 16 : index
      %get3A_607 = tpu.vector_load %arg20[%get3A_605, %get3A_606] {strides = array<i32>} : memref<8x32xf32, #tpu.memory_space<vmem>>, vector<16xf32>,
      %swap3A_608 = arith.index_cast %add3A_598 : i32 to index
      %swap3A_609 = arith.constant 16 : index
      %swap3A_610 = tpu.vector_load %arg16[%swap3A_608, %swap3A_609] {strides = array<i32>} : memref<512x32xf32, #tpu.memory_space<vmem>>, vector<16xf32>,
      tpu.vector_store %arg16[%swap3A_608, %swap3A_609], %get3A_607 {strides = array<i32>} : memref<512x32xf32, #tpu.memory_space<vmem>>, vector<16xf32>,
      %slice3A_611 = vector.extract_strided_slice %get3A_412 {offsets = [11], sizes = [1], strides = [1]} : vector<16xi32> to vector<1xi32>
      %squeeze3A_612 = vector.extract %slice3A_611[0] : i32 from vector<1xi32>
      %mul3A_613 = arith.constant 16 : i32
      %mul3A_614 = arith.muli %scan3A_119, %mul3A_613 : i32
      %add3A_615 = arith.constant 11 : i32
      %add3A_616 = arith.addi %mul3A_614, %add3A_615 : i32
      %get3A_617 = arith.index_cast %squeeze3A_612 : i32 to index
      %get3A_618 = arith.constant 0 : index
      %get3A_619 = tpu.vector_load %arg20[%get3A_617, %get3A_618] {strides = array<i32>} : memref<8x32xf32, #tpu.memory_space<vmem>>, vector<16xf32>,
      %swap3A_620 = arith.index_cast %add3A_616 : i32 to index
      %swap3A_621 = arith.constant 0 : index
      %swap3A_622 = tpu.vector_load %arg16[%swap3A_620, %swap3A_621] {strides = array<i32>} : memref<512x32xf32, #tpu.memory_space<vmem>>, vector<16xf32>,
      tpu.vector_store %arg16[%swap3A_620, %swap3A_621], %get3A_619 {strides = array<i32>} : memref<512x32xf32, #tpu.memory_space<vmem>>, vector<16xf32>,
      %get3A_623 = arith.index_cast %squeeze3A_612 : i32 to index
      %get3A_624 = arith.constant 16 : index
      %get3A_625 = tpu.vector_load %arg20[%get3A_623, %get3A_624] {strides = array<i32>} : memref<8x32xf32, #tpu.memory_space<vmem>>, vector<16xf32>,
      %swap3A_626 = arith.index_cast %add3A_616 : i32 to index
      %swap3A_627 = arith.constant 16 : index
      %swap3A_628 = tpu.vector_load %arg16[%swap3A_626, %swap3A_627] {strides = array<i32>} : memref<512x32xf32, #tpu.memory_space<vmem>>, vector<16xf32>,
      tpu.vector_store %arg16[%swap3A_626, %swap3A_627], %get3A_625 {strides = array<i32>} : memref<512x32xf32, #tpu.memory_space<vmem>>, vector<16xf32>,
      %slice3A_629 = vector.extract_strided_slice %get3A_412 {offsets = [12], sizes = [1], strides = [1]} : vector<16xi32> to vector<1xi32>
      %squeeze3A_630 = vector.extract %slice3A_629[0] : i32 from vector<1xi32>
      %mul3A_631 = arith.constant 16 : i32
      %mul3A_632 = arith.muli %scan3A_119, %mul3A_631 : i32
      %add3A_633 = arith.constant 12 : i32
      %add3A_634 = arith.addi %mul3A_632, %add3A_633 : i32
      %get3A_635 = arith.index_cast %squeeze3A_630 : i32 to index
      %get3A_636 = arith.constant 0 : index
      %get3A_637 = tpu.vector_load %arg20[%get3A_635, %get3A_636] {strides = array<i32>} : memref<8x32xf32, #tpu.memory_space<vmem>>, vector<16xf32>,
      %swap3A_638 = arith.index_cast %add3A_634 : i32 to index
      %swap3A_639 = arith.constant 0 : index
      %swap3A_640 = tpu.vector_load %arg16[%swap3A_638, %swap3A_639] {strides = array<i32>} : memref<512x32xf32, #tpu.memory_space<vmem>>, vector<16xf32>,
      tpu.vector_store %arg16[%swap3A_638, %swap3A_639], %get3A_637 {strides = array<i32>} : memref<512x32xf32, #tpu.memory_space<vmem>>, vector<16xf32>,
      %get3A_641 = arith.index_cast %squeeze3A_630 : i32 to index
      %get3A_642 = arith.constant 16 : index
      %get3A_643 = tpu.vector_load %arg20[%get3A_641, %get3A_642] {strides = array<i32>} : memref<8x32xf32, #tpu.memory_space<vmem>>, vector<16xf32>,
      %swap3A_644 = arith.index_cast %add3A_634 : i32 to index
      %swap3A_645 = arith.constant 16 : index
      %swap3A_646 = tpu.vector_load %arg16[%swap3A_644, %swap3A_645] {strides = array<i32>} : memref<512x32xf32, #tpu.memory_space<vmem>>, vector<16xf32>,
      tpu.vector_store %arg16[%swap3A_644, %swap3A_645], %get3A_643 {strides = array<i32>} : memref<512x32xf32, #tpu.memory_space<vmem>>, vector<16xf32>,
      %slice3A_647 = vector.extract_strided_slice %get3A_412 {offsets = [13], sizes = [1], strides = [1]} : vector<16xi32> to vector<1xi32>
      %squeeze3A_648 = vector.extract %slice3A_647[0] : i32 from vector<1xi32>
      %mul3A_649 = arith.constant 16 : i32
      %mul3A_650 = arith.muli %scan3A_119, %mul3A_649 : i32
      %add3A_651 = arith.constant 13 : i32
      %add3A_652 = arith.addi %mul3A_650, %add3A_651 : i32
      %get3A_653 = arith.index_cast %squeeze3A_648 : i32 to index
      %get3A_654 = arith.constant 0 : index
      %get3A_655 = tpu.vector_load %arg20[%get3A_653, %get3A_654] {strides = array<i32>} : memref<8x32xf32, #tpu.memory_space<vmem>>, vector<16xf32>,
      %swap3A_656 = arith.index_cast %add3A_652 : i32 to index
      %swap3A_657 = arith.constant 0 : index
      %swap3A_658 = tpu.vector_load %arg16[%swap3A_656, %swap3A_657] {strides = array<i32>} : memref<512x32xf32, #tpu.memory_space<vmem>>, vector<16xf32>,
      tpu.vector_store %arg16[%swap3A_656, %swap3A_657], %get3A_655 {strides = array<i32>} : memref<512x32xf32, #tpu.memory_space<vmem>>, vector<16xf32>,
      %get3A_659 = arith.index_cast %squeeze3A_648 : i32 to index
      %get3A_660 = arith.constant 16 : index
      %get3A_661 = tpu.vector_load %arg20[%get3A_659, %get3A_660] {strides = array<i32>} : memref<8x32xf32, #tpu.memory_space<vmem>>, vector<16xf32>,
      %swap3A_662 = arith.index_cast %add3A_652 : i32 to index
      %swap3A_663 = arith.constant 16 : index
      %swap3A_664 = tpu.vector_load %arg16[%swap3A_662, %swap3A_663] {strides = array<i32>} : memref<512x32xf32, #tpu.memory_space<vmem>>, vector<16xf32>,
      tpu.vector_store %arg16[%swap3A_662, %swap3A_663], %get3A_661 {strides = array<i32>} : memref<512x32xf32, #tpu.memory_space<vmem>>, vector<16xf32>,
      %slice3A_665 = vector.extract_strided_slice %get3A_412 {offsets = [14], sizes = [1], strides = [1]} : vector<16xi32> to vector<1xi32>
      %squeeze3A_666 = vector.extract %slice3A_665[0] : i32 from vector<1xi32>
      %mul3A_667 = arith.constant 16 : i32
      %mul3A_668 = arith.muli %scan3A_119, %mul3A_667 : i32
      %add3A_669 = arith.constant 14 : i32
      %add3A_670 = arith.addi %mul3A_668, %add3A_669 : i32
      %get3A_671 = arith.index_cast %squeeze3A_666 : i32 to index
      %get3A_672 = arith.constant 0 : index
      %get3A_673 = tpu.vector_load %arg20[%get3A_671, %get3A_672] {strides = array<i32>} : memref<8x32xf32, #tpu.memory_space<vmem>>, vector<16xf32>,
      %swap3A_674 = arith.index_cast %add3A_670 : i32 to index
      %swap3A_675 = arith.constant 0 : index
      %swap3A_676 = tpu.vector_load %arg16[%swap3A_674, %swap3A_675] {strides = array<i32>} : memref<512x32xf32, #tpu.memory_space<vmem>>, vector<16xf32>,
      tpu.vector_store %arg16[%swap3A_674, %swap3A_675], %get3A_673 {strides = array<i32>} : memref<512x32xf32, #tpu.memory_space<vmem>>, vector<16xf32>,
      %get3A_677 = arith.index_cast %squeeze3A_666 : i32 to index
      %get3A_678 = arith.constant 16 : index
      %get3A_679 = tpu.vector_load %arg20[%get3A_677, %get3A_678] {strides = array<i32>} : memref<8x32xf32, #tpu.memory_space<vmem>>, vector<16xf32>,
      %swap3A_680 = arith.index_cast %add3A_670 : i32 to index
      %swap3A_681 = arith.constant 16 : index
      %swap3A_682 = tpu.vector_load %arg16[%swap3A_680, %swap3A_681] {strides = array<i32>} : memref<512x32xf32, #tpu.memory_space<vmem>>, vector<16xf32>,
      tpu.vector_store %arg16[%swap3A_680, %swap3A_681], %get3A_679 {strides = array<i32>} : memref<512x32xf32, #tpu.memory_space<vmem>>, vector<16xf32>,
      %slice3A_683 = vector.extract_strided_slice %get3A_412 {offsets = [15], sizes = [1], strides = [1]} : vector<16xi32> to vector<1xi32>
      %squeeze3A_684 = vector.extract %slice3A_683[0] : i32 from vector<1xi32>
      %mul3A_685 = arith.constant 16 : i32
      %mul3A_686 = arith.muli %scan3A_119, %mul3A_685 : i32
      %add3A_687 = arith.constant 15 : i32
      %add3A_688 = arith.addi %mul3A_686, %add3A_687 : i32
      %get3A_689 = arith.index_cast %squeeze3A_684 : i32 to index
      %get3A_690 = arith.constant 0 : index
      %get3A_691 = tpu.vector_load %arg20[%get3A_689, %get3A_690] {strides = array<i32>} : memref<8x32xf32, #tpu.memory_space<vmem>>, vector<16xf32>,
      %swap3A_692 = arith.index_cast %add3A_688 : i32 to index
      %swap3A_693 = arith.constant 0 : index
      %swap3A_694 = tpu.vector_load %arg16[%swap3A_692, %swap3A_693] {strides = array<i32>} : memref<512x32xf32, #tpu.memory_space<vmem>>, vector<16xf32>,
      tpu.vector_store %arg16[%swap3A_692, %swap3A_693], %get3A_691 {strides = array<i32>} : memref<512x32xf32, #tpu.memory_space<vmem>>, vector<16xf32>,
      %get3A_695 = arith.index_cast %squeeze3A_684 : i32 to index
      %get3A_696 = arith.constant 16 : index
      %get3A_697 = tpu.vector_load %arg20[%get3A_695, %get3A_696] {strides = array<i32>} : memref<8x32xf32, #tpu.memory_space<vmem>>, vector<16xf32>,
      %swap3A_698 = arith.index_cast %add3A_688 : i32 to index
      %swap3A_699 = arith.constant 16 : index
      %swap3A_700 = tpu.vector_load %arg16[%swap3A_698, %swap3A_699] {strides = array<i32>} : memref<512x32xf32, #tpu.memory_space<vmem>>, vector<16xf32>,
      tpu.vector_store %arg16[%swap3A_698, %swap3A_699], %get3A_697 {strides = array<i32>} : memref<512x32xf32, #tpu.memory_space<vmem>>, vector<16xf32>,
      %mul3A_701 = arith.constant 16 : i32
      %mul3A_702 = arith.muli %scan3A_119, %mul3A_701 : i32
      %get3A_703 = arith.index_cast %mul3A_702 : i32 to index
      %get3A_704 = tpu.vector_load %arg13[%get3A_703] {strides = array<i32>} : memref<512xi32, #tpu.memory_space<vmem>>, vector<16xi32>,
      %slice3A_705 = vector.extract_strided_slice %get3A_704 {offsets = [0], sizes = [1], strides = [1]} : vector<16xi32> to vector<1xi32>
      %squeeze3A_706 = vector.extract %slice3A_705[0] : i32 from vector<1xi32>
      %mul3A_707 = arith.constant 16 : i32
      %mul3A_708 = arith.muli %scan3A_119, %mul3A_707 : i32
      %add3A_709 = arith.constant 0 : i32
      %add3A_710 = arith.addi %mul3A_708, %add3A_709 : i32
      %get3A_711 = arith.index_cast %squeeze3A_706 : i32 to index
      %get3A_712 = arith.constant 0 : index
      %get3A_713 = tpu.vector_load %arg21[%get3A_711, %get3A_712] {strides = array<i32>} : memref<22x32xf32, #tpu.memory_space<vmem>>, vector<16xf32>,
      %swap3A_714 = arith.index_cast %add3A_710 : i32 to index
      %swap3A_715 = arith.constant 0 : index
      %swap3A_716 = tpu.vector_load %arg17[%swap3A_714, %swap3A_715] {strides = array<i32>} : memref<512x32xf32, #tpu.memory_space<vmem>>, vector<16xf32>,
      tpu.vector_store %arg17[%swap3A_714, %swap3A_715], %get3A_713 {strides = array<i32>} : memref<512x32xf32, #tpu.memory_space<vmem>>, vector<16xf32>,
      %get3A_717 = arith.index_cast %squeeze3A_706 : i32 to index
      %get3A_718 = arith.constant 16 : index
      %get3A_719 = tpu.vector_load %arg21[%get3A_717, %get3A_718] {strides = array<i32>} : memref<22x32xf32, #tpu.memory_space<vmem>>, vector<16xf32>,
      %swap3A_720 = arith.index_cast %add3A_710 : i32 to index
      %swap3A_721 = arith.constant 16 : index
      %swap3A_722 = tpu.vector_load %arg17[%swap3A_720, %swap3A_721] {strides = array<i32>} : memref<512x32xf32, #tpu.memory_space<vmem>>, vector<16xf32>,
      tpu.vector_store %arg17[%swap3A_720, %swap3A_721], %get3A_719 {strides = array<i32>} : memref<512x32xf32, #tpu.memory_space<vmem>>, vector<16xf32>,
      %slice3A_723 = vector.extract_strided_slice %get3A_704 {offsets = [1], sizes = [1], strides = [1]} : vector<16xi32> to vector<1xi32>
      %squeeze3A_724 = vector.extract %slice3A_723[0] : i32 from vector<1xi32>
      %mul3A_725 = arith.constant 16 : i32
      %mul3A_726 = arith.muli %scan3A_119, %mul3A_725 : i32
      %add3A_727 = arith.constant 1 : i32
      %add3A_728 = arith.addi %mul3A_726, %add3A_727 : i32
      %get3A_729 = arith.index_cast %squeeze3A_724 : i32 to index
      %get3A_730 = arith.constant 0 : index
      %get3A_731 = tpu.vector_load %arg21[%get3A_729, %get3A_730] {strides = array<i32>} : memref<22x32xf32, #tpu.memory_space<vmem>>, vector<16xf32>,
      %swap3A_732 = arith.index_cast %add3A_728 : i32 to index
      %swap3A_733 = arith.constant 0 : index
      %swap3A_734 = tpu.vector_load %arg17[%swap3A_732, %swap3A_733] {strides = array<i32>} : memref<512x32xf32, #tpu.memory_space<vmem>>, vector<16xf32>,
      tpu.vector_store %arg17[%swap3A_732, %swap3A_733], %get3A_731 {strides = array<i32>} : memref<512x32xf32, #tpu.memory_space<vmem>>, vector<16xf32>,
      %get3A_735 = arith.index_cast %squeeze3A_724 : i32 to index
      %get3A_736 = arith.constant 16 : index
      %get3A_737 = tpu.vector_load %arg21[%get3A_735, %get3A_736] {strides = array<i32>} : memref<22x32xf32, #tpu.memory_space<vmem>>, vector<16xf32>,
      %swap3A_738 = arith.index_cast %add3A_728 : i32 to index
      %swap3A_739 = arith.constant 16 : index
      %swap3A_740 = tpu.vector_load %arg17[%swap3A_738, %swap3A_739] {strides = array<i32>} : memref<512x32xf32, #tpu.memory_space<vmem>>, vector<16xf32>,
      tpu.vector_store %arg17[%swap3A_738, %swap3A_739], %get3A_737 {strides = array<i32>} : memref<512x32xf32, #tpu.memory_space<vmem>>, vector<16xf32>,
      %slice3A_741 = vector.extract_strided_slice %get3A_704 {offsets = [2], sizes = [1], strides = [1]} : vector<16xi32> to vector<1xi32>
      %squeeze3A_742 = vector.extract %slice3A_741[0] : i32 from vector<1xi32>
      %mul3A_743 = arith.constant 16 : i32
      %mul3A_744 = arith.muli %scan3A_119, %mul3A_743 : i32
      %add3A_745 = arith.constant 2 : i32
      %add3A_746 = arith.addi %mul3A_744, %add3A_745 : i32
      %get3A_747 = arith.index_cast %squeeze3A_742 : i32 to index
      %get3A_748 = arith.constant 0 : index
      %get3A_749 = tpu.vector_load %arg21[%get3A_747, %get3A_748] {strides = array<i32>} : memref<22x32xf32, #tpu.memory_space<vmem>>, vector<16xf32>,
      %swap3A_750 = arith.index_cast %add3A_746 : i32 to index
      %swap3A_751 = arith.constant 0 : index
      %swap3A_752 = tpu.vector_load %arg17[%swap3A_750, %swap3A_751] {strides = array<i32>} : memref<512x32xf32, #tpu.memory_space<vmem>>, vector<16xf32>,
      tpu.vector_store %arg17[%swap3A_750, %swap3A_751], %get3A_749 {strides = array<i32>} : memref<512x32xf32, #tpu.memory_space<vmem>>, vector<16xf32>,
      %get3A_753 = arith.index_cast %squeeze3A_742 : i32 to index
      %get3A_754 = arith.constant 16 : index
      %get3A_755 = tpu.vector_load %arg21[%get3A_753, %get3A_754] {strides = array<i32>} : memref<22x32xf32, #tpu.memory_space<vmem>>, vector<16xf32>,
      %swap3A_756 = arith.index_cast %add3A_746 : i32 to index
      %swap3A_757 = arith.constant 16 : index
      %swap3A_758 = tpu.vector_load %arg17[%swap3A_756, %swap3A_757] {strides = array<i32>} : memref<512x32xf32, #tpu.memory_space<vmem>>, vector<16xf32>,
      tpu.vector_store %arg17[%swap3A_756, %swap3A_757], %get3A_755 {strides = array<i32>} : memref<512x32xf32, #tpu.memory_space<vmem>>, vector<16xf32>,
      %slice3A_759 = vector.extract_strided_slice %get3A_704 {offsets = [3], sizes = [1], strides = [1]} : vector<16xi32> to vector<1xi32>
      %squeeze3A_760 = vector.extract %slice3A_759[0] : i32 from vector<1xi32>
      %mul3A_761 = arith.constant 16 : i32
      %mul3A_762 = arith.muli %scan3A_119, %mul3A_761 : i32
      %add3A_763 = arith.constant 3 : i32
      %add3A_764 = arith.addi %mul3A_762, %add3A_763 : i32
      %get3A_765 = arith.index_cast %squeeze3A_760 : i32 to index
      %get3A_766 = arith.constant 0 : index
      %get3A_767 = tpu.vector_load %arg21[%get3A_765, %get3A_766] {strides = array<i32>} : memref<22x32xf32, #tpu.memory_space<vmem>>, vector<16xf32>,
      %swap3A_768 = arith.index_cast %add3A_764 : i32 to index
      %swap3A_769 = arith.constant 0 : index
      %swap3A_770 = tpu.vector_load %arg17[%swap3A_768, %swap3A_769] {strides = array<i32>} : memref<512x32xf32, #tpu.memory_space<vmem>>, vector<16xf32>,
      tpu.vector_store %arg17[%swap3A_768, %swap3A_769], %get3A_767 {strides = array<i32>} : memref<512x32xf32, #tpu.memory_space<vmem>>, vector<16xf32>,
      %get3A_771 = arith.index_cast %squeeze3A_760 : i32 to index
      %get3A_772 = arith.constant 16 : index
      %get3A_773 = tpu.vector_load %arg21[%get3A_771, %get3A_772] {strides = array<i32>} : memref<22x32xf32, #tpu.memory_space<vmem>>, vector<16xf32>,
      %swap3A_774 = arith.index_cast %add3A_764 : i32 to index
      %swap3A_775 = arith.constant 16 : index
      %swap3A_776 = tpu.vector_load %arg17[%swap3A_774, %swap3A_775] {strides = array<i32>} : memref<512x32xf32, #tpu.memory_space<vmem>>, vector<16xf32>,
      tpu.vector_store %arg17[%swap3A_774, %swap3A_775], %get3A_773 {strides = array<i32>} : memref<512x32xf32, #tpu.memory_space<vmem>>, vector<16xf32>,
      %slice3A_777 = vector.extract_strided_slice %get3A_704 {offsets = [4], sizes = [1], strides = [1]} : vector<16xi32> to vector<1xi32>
      %squeeze3A_778 = vector.extract %slice3A_777[0] : i32 from vector<1xi32>
      %mul3A_779 = arith.constant 16 : i32
      %mul3A_780 = arith.muli %scan3A_119, %mul3A_779 : i32
      %add3A_781 = arith.constant 4 : i32
      %add3A_782 = arith.addi %mul3A_780, %add3A_781 : i32
      %get3A_783 = arith.index_cast %squeeze3A_778 : i32 to index
      %get3A_784 = arith.constant 0 : index
      %get3A_785 = tpu.vector_load %arg21[%get3A_783, %get3A_784] {strides = array<i32>} : memref<22x32xf32, #tpu.memory_space<vmem>>, vector<16xf32>,
      %swap3A_786 = arith.index_cast %add3A_782 : i32 to index
      %swap3A_787 = arith.constant 0 : index
      %swap3A_788 = tpu.vector_load %arg17[%swap3A_786, %swap3A_787] {strides = array<i32>} : memref<512x32xf32, #tpu.memory_space<vmem>>, vector<16xf32>,
      tpu.vector_store %arg17[%swap3A_786, %swap3A_787], %get3A_785 {strides = array<i32>} : memref<512x32xf32, #tpu.memory_space<vmem>>, vector<16xf32>,
      %get3A_789 = arith.index_cast %squeeze3A_778 : i32 to index
      %get3A_790 = arith.constant 16 : index
      %get3A_791 = tpu.vector_load %arg21[%get3A_789, %get3A_790] {strides = array<i32>} : memref<22x32xf32, #tpu.memory_space<vmem>>, vector<16xf32>,
      %swap3A_792 = arith.index_cast %add3A_782 : i32 to index
      %swap3A_793 = arith.constant 16 : index
      %swap3A_794 = tpu.vector_load %arg17[%swap3A_792, %swap3A_793] {strides = array<i32>} : memref<512x32xf32, #tpu.memory_space<vmem>>, vector<16xf32>,
      tpu.vector_store %arg17[%swap3A_792, %swap3A_793], %get3A_791 {strides = array<i32>} : memref<512x32xf32, #tpu.memory_space<vmem>>, vector<16xf32>,
      %slice3A_795 = vector.extract_strided_slice %get3A_704 {offsets = [5], sizes = [1], strides = [1]} : vector<16xi32> to vector<1xi32>
      %squeeze3A_796 = vector.extract %slice3A_795[0] : i32 from vector<1xi32>
      %mul3A_797 = arith.constant 16 : i32
      %mul3A_798 = arith.muli %scan3A_119, %mul3A_797 : i32
      %add3A_799 = arith.constant 5 : i32
      %add3A_800 = arith.addi %mul3A_798, %add3A_799 : i32
      %get3A_801 = arith.index_cast %squeeze3A_796 : i32 to index
      %get3A_802 = arith.constant 0 : index
      %get3A_803 = tpu.vector_load %arg21[%get3A_801, %get3A_802] {strides = array<i32>} : memref<22x32xf32, #tpu.memory_space<vmem>>, vector<16xf32>,
      %swap3A_804 = arith.index_cast %add3A_800 : i32 to index
      %swap3A_805 = arith.constant 0 : index
      %swap3A_806 = tpu.vector_load %arg17[%swap3A_804, %swap3A_805] {strides = array<i32>} : memref<512x32xf32, #tpu.memory_space<vmem>>, vector<16xf32>,
      tpu.vector_store %arg17[%swap3A_804, %swap3A_805], %get3A_803 {strides = array<i32>} : memref<512x32xf32, #tpu.memory_space<vmem>>, vector<16xf32>,
      %get3A_807 = arith.index_cast %squeeze3A_796 : i32 to index
      %get3A_808 = arith.constant 16 : index
      %get3A_809 = tpu.vector_load %arg21[%get3A_807, %get3A_808] {strides = array<i32>} : memref<22x32xf32, #tpu.memory_space<vmem>>, vector<16xf32>,
      %swap3A_810 = arith.index_cast %add3A_800 : i32 to index
      %swap3A_811 = arith.constant 16 : index
      %swap3A_812 = tpu.vector_load %arg17[%swap3A_810, %swap3A_811] {strides = array<i32>} : memref<512x32xf32, #tpu.memory_space<vmem>>, vector<16xf32>,
      tpu.vector_store %arg17[%swap3A_810, %swap3A_811], %get3A_809 {strides = array<i32>} : memref<512x32xf32, #tpu.memory_space<vmem>>, vector<16xf32>,
      %slice3A_813 = vector.extract_strided_slice %get3A_704 {offsets = [6], sizes = [1], strides = [1]} : vector<16xi32> to vector<1xi32>
      %squeeze3A_814 = vector.extract %slice3A_813[0] : i32 from vector<1xi32>
      %mul3A_815 = arith.constant 16 : i32
      %mul3A_816 = arith.muli %scan3A_119, %mul3A_815 : i32
      %add3A_817 = arith.constant 6 : i32
      %add3A_818 = arith.addi %mul3A_816, %add3A_817 : i32
      %get3A_819 = arith.index_cast %squeeze3A_814 : i32 to index
      %get3A_820 = arith.constant 0 : index
      %get3A_821 = tpu.vector_load %arg21[%get3A_819, %get3A_820] {strides = array<i32>} : memref<22x32xf32, #tpu.memory_space<vmem>>, vector<16xf32>,
      %swap3A_822 = arith.index_cast %add3A_818 : i32 to index
      %swap3A_823 = arith.constant 0 : index
      %swap3A_824 = tpu.vector_load %arg17[%swap3A_822, %swap3A_823] {strides = array<i32>} : memref<512x32xf32, #tpu.memory_space<vmem>>, vector<16xf32>,
      tpu.vector_store %arg17[%swap3A_822, %swap3A_823], %get3A_821 {strides = array<i32>} : memref<512x32xf32, #tpu.memory_space<vmem>>, vector<16xf32>,
      %get3A_825 = arith.index_cast %squeeze3A_814 : i32 to index
      %get3A_826 = arith.constant 16 : index
      %get3A_827 = tpu.vector_load %arg21[%get3A_825, %get3A_826] {strides = array<i32>} : memref<22x32xf32, #tpu.memory_space<vmem>>, vector<16xf32>,
      %swap3A_828 = arith.index_cast %add3A_818 : i32 to index
      %swap3A_829 = arith.constant 16 : index
      %swap3A_830 = tpu.vector_load %arg17[%swap3A_828, %swap3A_829] {strides = array<i32>} : memref<512x32xf32, #tpu.memory_space<vmem>>, vector<16xf32>,
      tpu.vector_store %arg17[%swap3A_828, %swap3A_829], %get3A_827 {strides = array<i32>} : memref<512x32xf32, #tpu.memory_space<vmem>>, vector<16xf32>,
      %slice3A_831 = vector.extract_strided_slice %get3A_704 {offsets = [7], sizes = [1], strides = [1]} : vector<16xi32> to vector<1xi32>
      %squeeze3A_832 = vector.extract %slice3A_831[0] : i32 from vector<1xi32>
      %mul3A_833 = arith.constant 16 : i32
      %mul3A_834 = arith.muli %scan3A_119, %mul3A_833 : i32
      %add3A_835 = arith.constant 7 : i32
      %add3A_836 = arith.addi %mul3A_834, %add3A_835 : i32
      %get3A_837 = arith.index_cast %squeeze3A_832 : i32 to index
      %get3A_838 = arith.constant 0 : index
      %get3A_839 = tpu.vector_load %arg21[%get3A_837, %get3A_838] {strides = array<i32>} : memref<22x32xf32, #tpu.memory_space<vmem>>, vector<16xf32>,
      %swap3A_840 = arith.index_cast %add3A_836 : i32 to index
      %swap3A_841 = arith.constant 0 : index
      %swap3A_842 = tpu.vector_load %arg17[%swap3A_840, %swap3A_841] {strides = array<i32>} : memref<512x32xf32, #tpu.memory_space<vmem>>, vector<16xf32>,
      tpu.vector_store %arg17[%swap3A_840, %swap3A_841], %get3A_839 {strides = array<i32>} : memref<512x32xf32, #tpu.memory_space<vmem>>, vector<16xf32>,
      %get3A_843 = arith.index_cast %squeeze3A_832 : i32 to index
      %get3A_844 = arith.constant 16 : index
      %get3A_845 = tpu.vector_load %arg21[%get3A_843, %get3A_844] {strides = array<i32>} : memref<22x32xf32, #tpu.memory_space<vmem>>, vector<16xf32>,
      %swap3A_846 = arith.index_cast %add3A_836 : i32 to index
      %swap3A_847 = arith.constant 16 : index
      %swap3A_848 = tpu.vector_load %arg17[%swap3A_846, %swap3A_847] {strides = array<i32>} : memref<512x32xf32, #tpu.memory_space<vmem>>, vector<16xf32>,
      tpu.vector_store %arg17[%swap3A_846, %swap3A_847], %get3A_845 {strides = array<i32>} : memref<512x32xf32, #tpu.memory_space<vmem>>, vector<16xf32>,
      %slice3A_849 = vector.extract_strided_slice %get3A_704 {offsets = [8], sizes = [1], strides = [1]} : vector<16xi32> to vector<1xi32>
      %squeeze3A_850 = vector.extract %slice3A_849[0] : i32 from vector<1xi32>
      %mul3A_851 = arith.constant 16 : i32
      %mul3A_852 = arith.muli %scan3A_119, %mul3A_851 : i32
      %add3A_853 = arith.constant 8 : i32
      %add3A_854 = arith.addi %mul3A_852, %add3A_853 : i32
      %get3A_855 = arith.index_cast %squeeze3A_850 : i32 to index
      %get3A_856 = arith.constant 0 : index
      %get3A_857 = tpu.vector_load %arg21[%get3A_855, %get3A_856] {strides = array<i32>} : memref<22x32xf32, #tpu.memory_space<vmem>>, vector<16xf32>,
      %swap3A_858 = arith.index_cast %add3A_854 : i32 to index
      %swap3A_859 = arith.constant 0 : index
      %swap3A_860 = tpu.vector_load %arg17[%swap3A_858, %swap3A_859] {strides = array<i32>} : memref<512x32xf32, #tpu.memory_space<vmem>>, vector<16xf32>,
      tpu.vector_store %arg17[%swap3A_858, %swap3A_859], %get3A_857 {strides = array<i32>} : memref<512x32xf32, #tpu.memory_space<vmem>>, vector<16xf32>,
      %get3A_861 = arith.index_cast %squeeze3A_850 : i32 to index
      %get3A_862 = arith.constant 16 : index
      %get3A_863 = tpu.vector_load %arg21[%get3A_861, %get3A_862] {strides = array<i32>} : memref<22x32xf32, #tpu.memory_space<vmem>>, vector<16xf32>,
      %swap3A_864 = arith.index_cast %add3A_854 : i32 to index
      %swap3A_865 = arith.constant 16 : index
      %swap3A_866 = tpu.vector_load %arg17[%swap3A_864, %swap3A_865] {strides = array<i32>} : memref<512x32xf32, #tpu.memory_space<vmem>>, vector<16xf32>,
      tpu.vector_store %arg17[%swap3A_864, %swap3A_865], %get3A_863 {strides = array<i32>} : memref<512x32xf32, #tpu.memory_space<vmem>>, vector<16xf32>,
      %slice3A_867 = vector.extract_strided_slice %get3A_704 {offsets = [9], sizes = [1], strides = [1]} : vector<16xi32> to vector<1xi32>
      %squeeze3A_868 = vector.extract %slice3A_867[0] : i32 from vector<1xi32>
      %mul3A_869 = arith.constant 16 : i32
      %mul3A_870 = arith.muli %scan3A_119, %mul3A_869 : i32
      %add3A_871 = arith.constant 9 : i32
      %add3A_872 = arith.addi %mul3A_870, %add3A_871 : i32
      %get3A_873 = arith.index_cast %squeeze3A_868 : i32 to index
      %get3A_874 = arith.constant 0 : index
      %get3A_875 = tpu.vector_load %arg21[%get3A_873, %get3A_874] {strides = array<i32>} : memref<22x32xf32, #tpu.memory_space<vmem>>, vector<16xf32>,
      %swap3A_876 = arith.index_cast %add3A_872 : i32 to index
      %swap3A_877 = arith.constant 0 : index
      %swap3A_878 = tpu.vector_load %arg17[%swap3A_876, %swap3A_877] {strides = array<i32>} : memref<512x32xf32, #tpu.memory_space<vmem>>, vector<16xf32>,
      tpu.vector_store %arg17[%swap3A_876, %swap3A_877], %get3A_875 {strides = array<i32>} : memref<512x32xf32, #tpu.memory_space<vmem>>, vector<16xf32>,
      %get3A_879 = arith.index_cast %squeeze3A_868 : i32 to index
      %get3A_880 = arith.constant 16 : index
      %get3A_881 = tpu.vector_load %arg21[%get3A_879, %get3A_880] {strides = array<i32>} : memref<22x32xf32, #tpu.memory_space<vmem>>, vector<16xf32>,
      %swap3A_882 = arith.index_cast %add3A_872 : i32 to index
      %swap3A_883 = arith.constant 16 : index
      %swap3A_884 = tpu.vector_load %arg17[%swap3A_882, %swap3A_883] {strides = array<i32>} : memref<512x32xf32, #tpu.memory_space<vmem>>, vector<16xf32>,
      tpu.vector_store %arg17[%swap3A_882, %swap3A_883], %get3A_881 {strides = array<i32>} : memref<512x32xf32, #tpu.memory_space<vmem>>, vector<16xf32>,
      %slice3A_885 = vector.extract_strided_slice %get3A_704 {offsets = [10], sizes = [1], strides = [1]} : vector<16xi32> to vector<1xi32>
      %squeeze3A_886 = vector.extract %slice3A_885[0] : i32 from vector<1xi32>
      %mul3A_887 = arith.constant 16 : i32
      %mul3A_888 = arith.muli %scan3A_119, %mul3A_887 : i32
      %add3A_889 = arith.constant 10 : i32
      %add3A_890 = arith.addi %mul3A_888, %add3A_889 : i32
      %get3A_891 = arith.index_cast %squeeze3A_886 : i32 to index
      %get3A_892 = arith.constant 0 : index
      %get3A_893 = tpu.vector_load %arg21[%get3A_891, %get3A_892] {strides = array<i32>} : memref<22x32xf32, #tpu.memory_space<vmem>>, vector<16xf32>,
      %swap3A_894 = arith.index_cast %add3A_890 : i32 to index
      %swap3A_895 = arith.constant 0 : index
      %swap3A_896 = tpu.vector_load %arg17[%swap3A_894, %swap3A_895] {strides = array<i32>} : memref<512x32xf32, #tpu.memory_space<vmem>>, vector<16xf32>,
      tpu.vector_store %arg17[%swap3A_894, %swap3A_895], %get3A_893 {strides = array<i32>} : memref<512x32xf32, #tpu.memory_space<vmem>>, vector<16xf32>,
      %get3A_897 = arith.index_cast %squeeze3A_886 : i32 to index
      %get3A_898 = arith.constant 16 : index
      %get3A_899 = tpu.vector_load %arg21[%get3A_897, %get3A_898] {strides = array<i32>} : memref<22x32xf32, #tpu.memory_space<vmem>>, vector<16xf32>,
      %swap3A_900 = arith.index_cast %add3A_890 : i32 to index
      %swap3A_901 = arith.constant 16 : index
      %swap3A_902 = tpu.vector_load %arg17[%swap3A_900, %swap3A_901] {strides = array<i32>} : memref<512x32xf32, #tpu.memory_space<vmem>>, vector<16xf32>,
      tpu.vector_store %arg17[%swap3A_900, %swap3A_901], %get3A_899 {strides = array<i32>} : memref<512x32xf32, #tpu.memory_space<vmem>>, vector<16xf32>,
      %slice3A_903 = vector.extract_strided_slice %get3A_704 {offsets = [11], sizes = [1], strides = [1]} : vector<16xi32> to vector<1xi32>
      %squeeze3A_904 = vector.extract %slice3A_903[0] : i32 from vector<1xi32>
      %mul3A_905 = arith.constant 16 : i32
      %mul3A_906 = arith.muli %scan3A_119, %mul3A_905 : i32
      %add3A_907 = arith.constant 11 : i32
      %add3A_908 = arith.addi %mul3A_906, %add3A_907 : i32
      %get3A_909 = arith.index_cast %squeeze3A_904 : i32 to index
      %get3A_910 = arith.constant 0 : index
      %get3A_911 = tpu.vector_load %arg21[%get3A_909, %get3A_910] {strides = array<i32>} : memref<22x32xf32, #tpu.memory_space<vmem>>, vector<16xf32>,
      %swap3A_912 = arith.index_cast %add3A_908 : i32 to index
      %swap3A_913 = arith.constant 0 : index
      %swap3A_914 = tpu.vector_load %arg17[%swap3A_912, %swap3A_913] {strides = array<i32>} : memref<512x32xf32, #tpu.memory_space<vmem>>, vector<16xf32>,
      tpu.vector_store %arg17[%swap3A_912, %swap3A_913], %get3A_911 {strides = array<i32>} : memref<512x32xf32, #tpu.memory_space<vmem>>, vector<16xf32>,
      %get3A_915 = arith.index_cast %squeeze3A_904 : i32 to index
      %get3A_916 = arith.constant 16 : index
      %get3A_917 = tpu.vector_load %arg21[%get3A_915, %get3A_916] {strides = array<i32>} : memref<22x32xf32, #tpu.memory_space<vmem>>, vector<16xf32>,
      %swap3A_918 = arith.index_cast %add3A_908 : i32 to index
      %swap3A_919 = arith.constant 16 : index
      %swap3A_920 = tpu.vector_load %arg17[%swap3A_918, %swap3A_919] {strides = array<i32>} : memref<512x32xf32, #tpu.memory_space<vmem>>, vector<16xf32>,
      tpu.vector_store %arg17[%swap3A_918, %swap3A_919], %get3A_917 {strides = array<i32>} : memref<512x32xf32, #tpu.memory_space<vmem>>, vector<16xf32>,
      %slice3A_921 = vector.extract_strided_slice %get3A_704 {offsets = [12], sizes = [1], strides = [1]} : vector<16xi32> to vector<1xi32>
      %squeeze3A_922 = vector.extract %slice3A_921[0] : i32 from vector<1xi32>
      %mul3A_923 = arith.constant 16 : i32
      %mul3A_924 = arith.muli %scan3A_119, %mul3A_923 : i32
      %add3A_925 = arith.constant 12 : i32
      %add3A_926 = arith.addi %mul3A_924, %add3A_925 : i32
      %get3A_927 = arith.index_cast %squeeze3A_922 : i32 to index
      %get3A_928 = arith.constant 0 : index
      %get3A_929 = tpu.vector_load %arg21[%get3A_927, %get3A_928] {strides = array<i32>} : memref<22x32xf32, #tpu.memory_space<vmem>>, vector<16xf32>,
      %swap3A_930 = arith.index_cast %add3A_926 : i32 to index
      %swap3A_931 = arith.constant 0 : index
      %swap3A_932 = tpu.vector_load %arg17[%swap3A_930, %swap3A_931] {strides = array<i32>} : memref<512x32xf32, #tpu.memory_space<vmem>>, vector<16xf32>,
      tpu.vector_store %arg17[%swap3A_930, %swap3A_931], %get3A_929 {strides = array<i32>} : memref<512x32xf32, #tpu.memory_space<vmem>>, vector<16xf32>,
      %get3A_933 = arith.index_cast %squeeze3A_922 : i32 to index
      %get3A_934 = arith.constant 16 : index
      %get3A_935 = tpu.vector_load %arg21[%get3A_933, %get3A_934] {strides = array<i32>} : memref<22x32xf32, #tpu.memory_space<vmem>>, vector<16xf32>,
      %swap3A_936 = arith.index_cast %add3A_926 : i32 to index
      %swap3A_937 = arith.constant 16 : index
      %swap3A_938 = tpu.vector_load %arg17[%swap3A_936, %swap3A_937] {strides = array<i32>} : memref<512x32xf32, #tpu.memory_space<vmem>>, vector<16xf32>,
      tpu.vector_store %arg17[%swap3A_936, %swap3A_937], %get3A_935 {strides = array<i32>} : memref<512x32xf32, #tpu.memory_space<vmem>>, vector<16xf32>,
      %slice3A_939 = vector.extract_strided_slice %get3A_704 {offsets = [13], sizes = [1], strides = [1]} : vector<16xi32> to vector<1xi32>
      %squeeze3A_940 = vector.extract %slice3A_939[0] : i32 from vector<1xi32>
      %mul3A_941 = arith.constant 16 : i32
      %mul3A_942 = arith.muli %scan3A_119, %mul3A_941 : i32
      %add3A_943 = arith.constant 13 : i32
      %add3A_944 = arith.addi %mul3A_942, %add3A_943 : i32
      %get3A_945 = arith.index_cast %squeeze3A_940 : i32 to index
      %get3A_946 = arith.constant 0 : index
      %get3A_947 = tpu.vector_load %arg21[%get3A_945, %get3A_946] {strides = array<i32>} : memref<22x32xf32, #tpu.memory_space<vmem>>, vector<16xf32>,
      %swap3A_948 = arith.index_cast %add3A_944 : i32 to index
      %swap3A_949 = arith.constant 0 : index
      %swap3A_950 = tpu.vector_load %arg17[%swap3A_948, %swap3A_949] {strides = array<i32>} : memref<512x32xf32, #tpu.memory_space<vmem>>, vector<16xf32>,
      tpu.vector_store %arg17[%swap3A_948, %swap3A_949], %get3A_947 {strides = array<i32>} : memref<512x32xf32, #tpu.memory_space<vmem>>, vector<16xf32>,
      %get3A_951 = arith.index_cast %squeeze3A_940 : i32 to index
      %get3A_952 = arith.constant 16 : index
      %get3A_953 = tpu.vector_load %arg21[%get3A_951, %get3A_952] {strides = array<i32>} : memref<22x32xf32, #tpu.memory_space<vmem>>, vector<16xf32>,
      %swap3A_954 = arith.index_cast %add3A_944 : i32 to index
      %swap3A_955 = arith.constant 16 : index
      %swap3A_956 = tpu.vector_load %arg17[%swap3A_954, %swap3A_955] {strides = array<i32>} : memref<512x32xf32, #tpu.memory_space<vmem>>, vector<16xf32>,
      tpu.vector_store %arg17[%swap3A_954, %swap3A_955], %get3A_953 {strides = array<i32>} : memref<512x32xf32, #tpu.memory_space<vmem>>, vector<16xf32>,
      %slice3A_957 = vector.extract_strided_slice %get3A_704 {offsets = [14], sizes = [1], strides = [1]} : vector<16xi32> to vector<1xi32>
      %squeeze3A_958 = vector.extract %slice3A_957[0] : i32 from vector<1xi32>
      %mul3A_959 = arith.constant 16 : i32
      %mul3A_960 = arith.muli %scan3A_119, %mul3A_959 : i32
      %add3A_961 = arith.constant 14 : i32
      %add3A_962 = arith.addi %mul3A_960, %add3A_961 : i32
      %get3A_963 = arith.index_cast %squeeze3A_958 : i32 to index
      %get3A_964 = arith.constant 0 : index
      %get3A_965 = tpu.vector_load %arg21[%get3A_963, %get3A_964] {strides = array<i32>} : memref<22x32xf32, #tpu.memory_space<vmem>>, vector<16xf32>,
      %swap3A_966 = arith.index_cast %add3A_962 : i32 to index
      %swap3A_967 = arith.constant 0 : index
      %swap3A_968 = tpu.vector_load %arg17[%swap3A_966, %swap3A_967] {strides = array<i32>} : memref<512x32xf32, #tpu.memory_space<vmem>>, vector<16xf32>,
      tpu.vector_store %arg17[%swap3A_966, %swap3A_967], %get3A_965 {strides = array<i32>} : memref<512x32xf32, #tpu.memory_space<vmem>>, vector<16xf32>,
      %get3A_969 = arith.index_cast %squeeze3A_958 : i32 to index
      %get3A_970 = arith.constant 16 : index
      %get3A_971 = tpu.vector_load %arg21[%get3A_969, %get3A_970] {strides = array<i32>} : memref<22x32xf32, #tpu.memory_space<vmem>>, vector<16xf32>,
      %swap3A_972 = arith.index_cast %add3A_962 : i32 to index
      %swap3A_973 = arith.constant 16 : index
      %swap3A_974 = tpu.vector_load %arg17[%swap3A_972, %swap3A_973] {strides = array<i32>} : memref<512x32xf32, #tpu.memory_space<vmem>>, vector<16xf32>,
      tpu.vector_store %arg17[%swap3A_972, %swap3A_973], %get3A_971 {strides = array<i32>} : memref<512x32xf32, #tpu.memory_space<vmem>>, vector<16xf32>,
      %slice3A_975 = vector.extract_strided_slice %get3A_704 {offsets = [15], sizes = [1], strides = [1]} : vector<16xi32> to vector<1xi32>
      %squeeze3A_976 = vector.extract %slice3A_975[0] : i32 from vector<1xi32>
      %mul3A_977 = arith.constant 16 : i32
      %mul3A_978 = arith.muli %scan3A_119, %mul3A_977 : i32
      %add3A_979 = arith.constant 15 : i32
      %add3A_980 = arith.addi %mul3A_978, %add3A_979 : i32
      %get3A_981 = arith.index_cast %squeeze3A_976 : i32 to index
      %get3A_982 = arith.constant 0 : index
      %get3A_983 = tpu.vector_load %arg21[%get3A_981, %get3A_982] {strides = array<i32>} : memref<22x32xf32, #tpu.memory_space<vmem>>, vector<16xf32>,
      %swap3A_984 = arith.index_cast %add3A_980 : i32 to index
      %swap3A_985 = arith.constant 0 : index
      %swap3A_986 = tpu.vector_load %arg17[%swap3A_984, %swap3A_985] {strides = array<i32>} : memref<512x32xf32, #tpu.memory_space<vmem>>, vector<16xf32>,
      tpu.vector_store %arg17[%swap3A_984, %swap3A_985], %get3A_983 {strides = array<i32>} : memref<512x32xf32, #tpu.memory_space<vmem>>, vector<16xf32>,
      %get3A_987 = arith.index_cast %squeeze3A_976 : i32 to index
      %get3A_988 = arith.constant 16 : index
      %get3A_989 = tpu.vector_load %arg21[%get3A_987, %get3A_988] {strides = array<i32>} : memref<22x32xf32, #tpu.memory_space<vmem>>, vector<16xf32>,
      %swap3A_990 = arith.index_cast %add3A_980 : i32 to index
      %swap3A_991 = arith.constant 16 : index
      %swap3A_992 = tpu.vector_load %arg17[%swap3A_990, %swap3A_991] {strides = array<i32>} : memref<512x32xf32, #tpu.memory_space<vmem>>, vector<16xf32>,
      tpu.vector_store %arg17[%swap3A_990, %swap3A_991], %get3A_989 {strides = array<i32>} : memref<512x32xf32, #tpu.memory_space<vmem>>, vector<16xf32>,
      %scan3A_993 = arith.constant 0 : i32
      scf.yield %scan3A_993 : i32
    }
    %scan3A_54 = arith.constant 32 : i32
    %dma_wait3A_55 = arith.constant 0 : i32
    %dma_wait3A_56 = arith.constant 0 : i32
    %dma_wait3A_57 = tpu.memref_slice %arg18[%dma_wait3A_55, %dma_wait3A_56] : memref<512x32xf32, #tpu.memory_space<vmem>> -> memref<128x32xf32, #tpu.memory_space<vmem>>
    %dma_wait3A_58 = arith.constant 0 : i32
    %dma_wait3A_59 = tpu.memref_slice %arg14[%dma_wait3A_58] : memref<512xi32, #tpu.memory_space<vmem>> -> memref<128xi32, #tpu.memory_space<vmem>>
    %dma_wait3A_60 = arith.constant 0 : i32
    %dma_wait3A_61 = arith.constant 0 : i32
    %dma_wait3A_62 = tpu.memref_slice %arg9[%dma_wait3A_60, %dma_wait3A_61] : memref<100001x32xf32, #tpu.memory_space<hbm>> -> memref<100001x32xf32, #tpu.memory_space<hbm>>
    tpu.wait_indirect_dma semaphore(%arg23 : memref<!tpu.dma_semaphore, #tpu.memory_space<semaphore_mem>>) src(%dma_wait3A_62 : memref<100001x32xf32, #tpu.memory_space<hbm>>) dst(%dma_wait3A_57 : memref<128x32xf32, #tpu.memory_space<vmem>>)
    %dma_wait3A_63 = arith.constant 128 : i32
    %dma_wait3A_64 = arith.constant 0 : i32
    %dma_wait3A_65 = tpu.memref_slice %arg18[%dma_wait3A_63, %dma_wait3A_64] : memref<512x32xf32, #tpu.memory_space<vmem>> -> memref<128x32xf32, #tpu.memory_space<vmem>>
    %dma_wait3A_66 = arith.constant 128 : i32
    %dma_wait3A_67 = tpu.memref_slice %arg14[%dma_wait3A_66] : memref<512xi32, #tpu.memory_space<vmem>> -> memref<128xi32, #tpu.memory_space<vmem>>
    %dma_wait3A_68 = arith.constant 0 : i32
    %dma_wait3A_69 = arith.constant 0 : i32
    %dma_wait3A_70 = tpu.memref_slice %arg9[%dma_wait3A_68, %dma_wait3A_69] : memref<100001x32xf32, #tpu.memory_space<hbm>> -> memref<100001x32xf32, #tpu.memory_space<hbm>>
    tpu.wait_indirect_dma semaphore(%arg23 : memref<!tpu.dma_semaphore, #tpu.memory_space<semaphore_mem>>) src(%dma_wait3A_70 : memref<100001x32xf32, #tpu.memory_space<hbm>>) dst(%dma_wait3A_65 : memref<128x32xf32, #tpu.memory_space<vmem>>)
    %dma_wait3A_71 = arith.constant 256 : i32
    %dma_wait3A_72 = arith.constant 0 : i32
    %dma_wait3A_73 = tpu.memref_slice %arg18[%dma_wait3A_71, %dma_wait3A_72] : memref<512x32xf32, #tpu.memory_space<vmem>> -> memref<128x32xf32, #tpu.memory_space<vmem>>
    %dma_wait3A_74 = arith.constant 256 : i32
    %dma_wait3A_75 = tpu.memref_slice %arg14[%dma_wait3A_74] : memref<512xi32, #tpu.memory_space<vmem>> -> memref<128xi32, #tpu.memory_space<vmem>>
    %dma_wait3A_76 = arith.constant 0 : i32
    %dma_wait3A_77 = arith.constant 0 : i32
    %dma_wait3A_78 = tpu.memref_slice %arg9[%dma_wait3A_76, %dma_wait3A_77] : memref<100001x32xf32, #tpu.memory_space<hbm>> -> memref<100001x32xf32, #tpu.memory_space<hbm>>
    tpu.wait_indirect_dma semaphore(%arg23 : memref<!tpu.dma_semaphore, #tpu.memory_space<semaphore_mem>>) src(%dma_wait3A_78 : memref<100001x32xf32, #tpu.memory_space<hbm>>) dst(%dma_wait3A_73 : memref<128x32xf32, #tpu.memory_space<vmem>>)
    %dma_wait3A_79 = arith.constant 384 : i32
    %dma_wait3A_80 = arith.constant 0 : i32
    %dma_wait3A_81 = tpu.memref_slice %arg18[%dma_wait3A_79, %dma_wait3A_80] : memref<512x32xf32, #tpu.memory_space<vmem>> -> memref<128x32xf32, #tpu.memory_space<vmem>>
    %dma_wait3A_82 = arith.constant 384 : i32
    %dma_wait3A_83 = tpu.memref_slice %arg14[%dma_wait3A_82] : memref<512xi32, #tpu.memory_space<vmem>> -> memref<128xi32, #tpu.memory_space<vmem>>
    %dma_wait3A_84 = arith.constant 0 : i32
    %dma_wait3A_85 = arith.constant 0 : i32
    %dma_wait3A_86 = tpu.memref_slice %arg9[%dma_wait3A_84, %dma_wait3A_85] : memref<100001x32xf32, #tpu.memory_space<hbm>> -> memref<100001x32xf32, #tpu.memory_space<hbm>>
    tpu.wait_indirect_dma semaphore(%arg23 : memref<!tpu.dma_semaphore, #tpu.memory_space<semaphore_mem>>) src(%dma_wait3A_86 : memref<100001x32xf32, #tpu.memory_space<hbm>>) dst(%dma_wait3A_81 : memref<128x32xf32, #tpu.memory_space<vmem>>)
    %dma_start3A_87 = arith.constant 0 : i32
    %dma_start3A_88 = tpu.memref_slice %arg10[%mul3A_2, %dma_start3A_87] : memref<16384x128xf32, #tpu.memory_space<hbm>> -> memref<512x32xf32, #tpu.memory_space<hbm>>
    %dma_start3A_89 = arith.constant 0 : i32
    %dma_start3A_90 = tpu.memref_slice %arg10[%mul3A_2, %dma_start3A_89] : memref<16384x128xf32, #tpu.memory_space<hbm>> -> memref<512x32xf32, #tpu.memory_space<hbm>>
    tpu.enqueue_dma source(%arg15 : memref<512x32xf32, #tpu.memory_space<vmem>>) target(%dma_start3A_90 : memref<512x32xf32, #tpu.memory_space<hbm>>) target_semaphore(%arg22 : memref<!tpu.dma_semaphore, #tpu.memory_space<semaphore_mem>>)
    %dma_start3A_91 = arith.constant 32 : i32
    %dma_start3A_92 = tpu.memref_slice %arg10[%mul3A_2, %dma_start3A_91] : memref<16384x128xf32, #tpu.memory_space<hbm>> -> memref<512x32xf32, #tpu.memory_space<hbm>>
    %dma_start3A_93 = arith.constant 32 : i32
    %dma_start3A_94 = tpu.memref_slice %arg10[%mul3A_2, %dma_start3A_93] : memref<16384x128xf32, #tpu.memory_space<hbm>> -> memref<512x32xf32, #tpu.memory_space<hbm>>
    tpu.enqueue_dma source(%arg16 : memref<512x32xf32, #tpu.memory_space<vmem>>) target(%dma_start3A_94 : memref<512x32xf32, #tpu.memory_space<hbm>>) target_semaphore(%arg22 : memref<!tpu.dma_semaphore, #tpu.memory_space<semaphore_mem>>)
    %dma_start3A_95 = arith.constant 64 : i32
    %dma_start3A_96 = tpu.memref_slice %arg10[%mul3A_2, %dma_start3A_95] : memref<16384x128xf32, #tpu.memory_space<hbm>> -> memref<512x32xf32, #tpu.memory_space<hbm>>
    %dma_start3A_97 = arith.constant 64 : i32
    %dma_start3A_98 = tpu.memref_slice %arg10[%mul3A_2, %dma_start3A_97] : memref<16384x128xf32, #tpu.memory_space<hbm>> -> memref<512x32xf32, #tpu.memory_space<hbm>>
    tpu.enqueue_dma source(%arg17 : memref<512x32xf32, #tpu.memory_space<vmem>>) target(%dma_start3A_98 : memref<512x32xf32, #tpu.memory_space<hbm>>) target_semaphore(%arg22 : memref<!tpu.dma_semaphore, #tpu.memory_space<semaphore_mem>>)
    %dma_start3A_99 = arith.constant 96 : i32
    %dma_start3A_100 = tpu.memref_slice %arg10[%mul3A_2, %dma_start3A_99] : memref<16384x128xf32, #tpu.memory_space<hbm>> -> memref<512x32xf32, #tpu.memory_space<hbm>>
    %dma_start3A_101 = arith.constant 96 : i32
    %dma_start3A_102 = tpu.memref_slice %arg10[%mul3A_2, %dma_start3A_101] : memref<16384x128xf32, #tpu.memory_space<hbm>> -> memref<512x32xf32, #tpu.memory_space<hbm>>
    tpu.enqueue_dma source(%arg18 : memref<512x32xf32, #tpu.memory_space<vmem>>) target(%dma_start3A_102 : memref<512x32xf32, #tpu.memory_space<hbm>>) target_semaphore(%arg22 : memref<!tpu.dma_semaphore, #tpu.memory_space<semaphore_mem>>)
    %dma_wait3A_103 = arith.constant 0 : i32
    %dma_wait3A_104 = tpu.memref_slice %arg10[%mul3A_2, %dma_wait3A_103] : memref<16384x128xf32, #tpu.memory_space<hbm>> -> memref<512x32xf32, #tpu.memory_space<hbm>>
    %dma_wait3A_105 = arith.constant 0 : i32
    %dma_wait3A_106 = tpu.memref_slice %arg10[%mul3A_2, %dma_wait3A_105] : memref<16384x128xf32, #tpu.memory_space<hbm>> -> memref<512x32xf32, #tpu.memory_space<hbm>>
    tpu.wait_dma2 semaphore(%arg22 : memref<!tpu.dma_semaphore, #tpu.memory_space<semaphore_mem>>) src(%arg15 : memref<512x32xf32, #tpu.memory_space<vmem>>) dst(%dma_wait3A_106 : memref<512x32xf32, #tpu.memory_space<hbm>>)
    %dma_wait3A_107 = arith.constant 32 : i32
    %dma_wait3A_108 = tpu.memref_slice %arg10[%mul3A_2, %dma_wait3A_107] : memref<16384x128xf32, #tpu.memory_space<hbm>> -> memref<512x32xf32, #tpu.memory_space<hbm>>
    %dma_wait3A_109 = arith.constant 32 : i32
    %dma_wait3A_110 = tpu.memref_slice %arg10[%mul3A_2, %dma_wait3A_109] : memref<16384x128xf32, #tpu.memory_space<hbm>> -> memref<512x32xf32, #tpu.memory_space<hbm>>
    tpu.wait_dma2 semaphore(%arg22 : memref<!tpu.dma_semaphore, #tpu.memory_space<semaphore_mem>>) src(%arg16 : memref<512x32xf32, #tpu.memory_space<vmem>>) dst(%dma_wait3A_110 : memref<512x32xf32, #tpu.memory_space<hbm>>)
    %dma_wait3A_111 = arith.constant 64 : i32
    %dma_wait3A_112 = tpu.memref_slice %arg10[%mul3A_2, %dma_wait3A_111] : memref<16384x128xf32, #tpu.memory_space<hbm>> -> memref<512x32xf32, #tpu.memory_space<hbm>>
    %dma_wait3A_113 = arith.constant 64 : i32
    %dma_wait3A_114 = tpu.memref_slice %arg10[%mul3A_2, %dma_wait3A_113] : memref<16384x128xf32, #tpu.memory_space<hbm>> -> memref<512x32xf32, #tpu.memory_space<hbm>>
    tpu.wait_dma2 semaphore(%arg22 : memref<!tpu.dma_semaphore, #tpu.memory_space<semaphore_mem>>) src(%arg17 : memref<512x32xf32, #tpu.memory_space<vmem>>) dst(%dma_wait3A_114 : memref<512x32xf32, #tpu.memory_space<hbm>>)
    %dma_wait3A_115 = arith.constant 96 : i32
    %dma_wait3A_116 = tpu.memref_slice %arg10[%mul3A_2, %dma_wait3A_115] : memref<16384x128xf32, #tpu.memory_space<hbm>> -> memref<512x32xf32, #tpu.memory_space<hbm>>
    %dma_wait3A_117 = arith.constant 96 : i32
    %dma_wait3A_118 = tpu.memref_slice %arg10[%mul3A_2, %dma_wait3A_117] : memref<16384x128xf32, #tpu.memory_space<hbm>> -> memref<512x32xf32, #tpu.memory_space<hbm>>
    tpu.wait_dma2 semaphore(%arg22 : memref<!tpu.dma_semaphore, #tpu.memory_space<semaphore_mem>>) src(%arg18 : memref<512x32xf32, #tpu.memory_space<vmem>>) dst(%dma_wait3A_118 : memref<512x32xf32, #tpu.memory_space<hbm>>)
    return
  }
}

</mosaic_0001>

<sc_bundles>
// kernel: _lookup_concat.3.cloned.1.call-start
scs
__scs_entry_jumppad:
0x0: {  	(pc) =	sbr.rel $0x88, $3  }
0x1: {  	(tag) =	ssettag $0x0;
	lr =	simm.s32 $0x1  }
0x2: {  	[smem:$0x3F99] =	sst lr;
	_ =	strace $0xD0000000  }
0x3: {  	_ = 	snop  }
0x4: {  	_ = 	snop  }
0x5: {  	_ = 	snop  }
0x6: {  	_ = 	snop  }
0x7: {  	_ = 	snop  }
__scs_overlays_trampoline_lowered:
0x8: {  	[smem:$0x3FA8] =	sst s0  }
0x9: {  	[smem:$0x3FA9] =	sst s1  }
0xa: {  	[smem:$0x3FAA] =	sst s2  }
0xb: {  	[smem:$0x3FAB] =	sst s3  }
0xc: {  	[smem:$0x3FAC] =	sst s4  }
0xd: {  	[smem:$0x3FAD] =	sst s5  }
0xe: {  	[smem:$0x3FAE] =	sst s6  }
0xf: {  	[smem:$0x3FAF] =	sst s7  }
0x10: {  	[smem:$0x3FB0] =	sst s8  }
0x11: {  	[smem:$0x3FB1] =	sst s9;
	s0 =	simm.s32 @!p0 $0x0  }
0x12: {  	s1 =	sld [smem:$0x3F97];
	s0 =	simm.s32 @p0 $0x1  }
0x13: {  	[smem:$0x3FB2] =	sst s0;
	s0 =	simm.s32 @!p1 $0x0  }
0x14: {  	s2 =	sld [smem:$0x3F96];
	s0 =	simm.s32 @p1 $0x1  }
0x15: {  	[smem:$0x3FB3] =	sst s0;
	s0 =	simm.s32 @!p2 $0x0  }
0x16: {  	s3 =	sld [smem:$0x3FDB];
	s0 =	simm.s32 @p2 $0x1  }
0x17: {  	s4 =	simm.s32 $0x1BF5;
	[smem:$0x3FB5] =	sst s0  }
0x18: {  	s0 =	sld [smem:$0x3F98];
	_ =	swait.ge [sflag:s4], $0x0  }
0x19: {  	s7 =	sld [smem:$0x3F99]  }
0x1a: {  	s8 =	sadd.s32 $0xFFFFE003, lr  }
0x1b: {  	s9 =	sadd.s32 $0xFFFFFEF7, lr;
	s5 =	simm.s32 $0xFFFFFFFF;
	p2 =	slt.u32 s8, $0xFFFFF086  }
0x1c: {  	p1 =	slt.u32 s9, $0xF7A;
	s5 =	simm.s32 @!p2 $0x0  }
0x1d: {  	s5 =	simm.s32 @p1 $0x1;
	p0 =	seq.s32 s7, s2  }
0x1e: {  	s7 =	smul.u32 @!p0 $0xF7A, s2;
	p2 =	seq.s32 @!p0 s5, $0x0  }
0x1f: {  	s9 =	smul.u32 $0xF7A, s1;
	s8 =	simm.s32 @!p0 $0x1BF5;
	p2 =	por !p2, p0  }
0x20: {  	[sflag:s8] =	ssyncset.s32 @!p0 $0xFFFFF086;
	s6 =	sadd.s32 @!p0 s3, s7;
	s7 =	simm.s32 @!p0 $0x108  }
0x21: {  	s3 =	sadd.s32 s3, s9;
	s6 =	sadd.s32 @!p0 $0x88, s6;
	s7 =	simm.s32 @p2 $0x1082  }
0x22: {  	[simem:s7], [sflag:s8] =	dma.local @!p0 [hbm:s6], $0xF7A  }
0x23: {  	s9 =	sor.u32 $0xD0000000, s2;
	s6 =	simm.s32 $0x108;
	_ =	swait.ge @!p0 [sflag:s8], $0x0  }
0x24: {  	s3 =	sadd.s32 $0x88, s3;
	s6 =	simm.s32 @!p1 $0x1082;
	[sflag:s4] =	ssyncset.s32 $0xFFFFF086  }
0x25: {  	[simem:s6], [sflag:s4] =	dma.local [hbm:s3], $0xF7A  }
0x26: {  	[smem:$0x3F99] =	sst s1;
	(tag) =	ssettag s2;
	_ =	strace s9  }
0x27: {  	s1 =	sld [smem:$0x3FA9]  }
0x28: {  	s2 =	sld [smem:$0x3FAA]  }
0x29: {  	s4 =	sld [smem:$0x3FAC]  }
0x2a: {  	p0 =	seq.s32 s5, $0x0;
	s5 =	sld [smem:$0x3FAD]  }
0x2b: {  	s6 =	sld [smem:$0x3FAE]  }
0x2c: {  	s7 =	sld [smem:$0x3FAF]  }
0x2d: {  	s3 =	simm.s32 $0x108;
	s8 =	sld [smem:$0x3FB0]  }
0x2e: {  	s3 =	simm.s32 @!p0 $0x1082;
	s9 =	sld [smem:$0x3FB1]  }
0x2f: {  	lr =	sadd.s32 s0, s3;
	s0 =	sld [smem:$0x3FA8]  }
0x30: {  	s3 =	sld [smem:$0x3FAB]  }
0x31: {  	[smem:$0x3FB4] =	sst s10  }
0x32: {  	s10 =	sld [smem:$0x3FB2];
	_ =	sdelay $0x3  }
0x33: {  	p0 =	seq.s32 s10, $0x1;
	s10 =	sld [smem:$0x3FB4];
	_ =	sdelay $0x3  }
0x34: {  	[smem:$0x3FB4] =	sst s10  }
0x35: {  	s10 =	sld [smem:$0x3FB3];
	_ =	sdelay $0x3  }
0x36: {  	p1 =	seq.s32 s10, $0x1;
	s10 =	sld [smem:$0x3FB4];
	_ =	sdelay $0x3  }
0x37: {  	[smem:$0x3FB4] =	sst s10  }
0x38: {  	s10 =	sld [smem:$0x3FB5]  }
0x39: {  	_ = 	snop;
	(pc) =	sbr.ind lr, $3  }
0x3a: {  	_ = 	snop  }
0x3b: {  	_ = 	snop  }
0x3c: {  	p2 =	seq.s32 s10, $0x1;
	s10 =	sld [smem:$0x3FB4]  }
0x3d: {  	_ =	shalt  }
0x3e: {  	_ =	shalt  }
0x3f: {  	_ =	shalt  }
0x40: {  	_ =	shalt  }
0x41: {  	_ =	shalt  }
0x42: {  	_ =	shalt  }
0x43: {  	_ =	shalt  }
0x44: {  	_ =	shalt  }
0x45: {  	_ =	shalt  }
0x46: {  	_ =	shalt  }
0x47: {  	_ =	shalt  }
0x48: {  	_ =	shalt  }
0x49: {  	_ =	shalt  }
0x4a: {  	_ =	shalt  }
0x4b: {  	_ =	shalt  }
0x4c: {  	_ =	shalt  }
0x4d: {  	_ =	shalt  }
0x4e: {  	_ =	shalt  }
0x4f: {  	_ =	shalt  }
0x50: {  	_ =	shalt  }
0x51: {  	_ =	shalt  }
0x52: {  	_ =	shalt  }
0x53: {  	_ =	shalt  }
0x54: {  	_ =	shalt  }
0x55: {  	_ =	shalt  }
0x56: {  	_ =	shalt  }
0x57: {  	_ =	shalt  }
0x58: {  	_ =	shalt  }
0x59: {  	_ =	shalt  }
0x5a: {  	_ =	shalt  }
0x5b: {  	_ =	shalt  }
0x5c: {  	_ =	shalt  }
0x5d: {  	_ =	shalt  }
0x5e: {  	_ =	shalt  }
0x5f: {  	_ =	shalt  }
0x60: {  	_ =	shalt  }
0x61: {  	_ =	shalt  }
0x62: {  	_ =	shalt  }
0x63: {  	_ =	shalt  }
0x64: {  	_ =	shalt  }
0x65: {  	_ =	shalt  }
0x66: {  	_ =	shalt  }
0x67: {  	_ =	shalt  }
0x68: {  	_ =	shalt  }
0x69: {  	_ =	shalt  }
0x6a: {  	_ =	shalt  }
0x6b: {  	_ =	shalt  }
0x6c: {  	_ =	shalt  }
0x6d: {  	_ =	shalt  }
0x6e: {  	_ =	shalt  }
0x6f: {  	_ =	shalt  }
0x70: {  	_ =	shalt  }
0x71: {  	_ =	shalt  }
0x72: {  	_ =	shalt  }
0x73: {  	_ =	shalt  }
0x74: {  	_ =	shalt  }
0x75: {  	_ =	shalt  }
0x76: {  	_ =	shalt  }
0x77: {  	_ =	shalt  }
0x78: {  	_ =	shalt  }
0x79: {  	_ =	shalt  }
0x7a: {  	_ =	shalt  }
0x7b: {  	_ =	shalt  }
0x7c: {  	_ =	shalt  }
0x7d: {  	_ =	shalt  }
0x7e: {  	_ =	shalt  }
0x7f: {  	_ =	shalt  }
0x80: {  	_ =	shalt  }
0x81: {  	_ =	shalt  }
0x82: {  	_ =	shalt  }
0x83: {  	_ =	shalt  }
0x84: {  	_ =	shalt  }
0x85: {  	_ =	shalt  }
0x86: {  	_ =	shalt  }
0x87: {  	_ =	shalt  }
.Lfunc_end0:
.L_simem_size_0:
called_computation_lowered:
.L_overlay_start_0:
0x88: {  	s2 =	sld [smem:$0x3FD9]  }
0x89: {  	s3 =	sld [smem:$0x3FFE];
	_ =	sdelay $0x1  }
0x8a: {  	s1 =	srdreg.scid  }
0x8b: {  	s0 =	sand.u32 $0x1, s1  }
0x8c: {  	s17 =	sshll.u32 s0, $0xA;
	s2 =	sadd.s32 s3, s2  }
0x8d: {  	s2 =	sadd.s32 s2, s17  }
0x8e: {  	[smem:$0x3FC0] =	sst s2  }
0x8f: {  	_ = 	snop  }
0x90: {  	s2 =	sld [smem:$0x3FC9]  }
0x91: {  	s18 =	sld [smem:$0x3FC8]  }
0x92: {  	s4 =	sld [smem:$0x3FC7]  }
0x93: {  	s5 =	sld [smem:$0x3FC6]  }
0x94: {  	s6 =	sld [smem:$0x3FD0];
	(tm) =	ssettm $0x1  }
0x95: {  	s7 =	sld [smem:$0x3FFB];
	_ =	sdelay $0x3  }
0x96: {  	_ =	strace s7  }
0x97: {  	s7 =	sld [smem:$0x3FFC];
	_ =	sdelay $0x3  }
0x98: {  	_ =	strace s7  }
0x99: {  	s7 =	sld [smem:$0x3FFD];
	_ =	sdelay $0x3  }
0x9a: {  	_ =	strace s7  }
0x9b: {  	_ =	strace $0x8FFFFFFF  }
0x9c: {  	s19 =	sld [smem:$0x3FDB];
	_ =	sdelay $0x1  }
0x9d: {  	s8 =	simm.s32 $_scs_section_size  }
0x9e: {  	s9 =	simm.s32 $_size__tile_overlayer_lowered;
	s10 =	simm.s32 $_tile_overlayer_lowered  }
0x9f: {  	s22 =	simm.s32 $0x1BFF;
	s21 =	sshll.u32 s10, $0x1;
	s7 =	sadd.s32 s8, s19  }
0xa0: {  	s11 =	simm.s32 $0x0;
	s20 =	sshll.u32 s9, $0x1;
	s9 =	sadd.s32 s21, s7  }
0xa1: {  	[timem:s11], [sflag:s22] =	dma.local [hbm:s9], s20  }
0xa2: {  	_ =	swait.ge [sflag:s22], s20  }
0xa3: {  	s8 =	ssub.s32 $0x0, s20;
	[sflag:s22] =	ssyncset.done $0x0  }
0xa4: {  	[sflag:s22] =	ssyncadd.s32 s8;
	_ =	sdelay $0x1  }
0xa5: {  	s23 =	simm.s32 $0x1B8B  }
0xa6: {  	_ =	swait.ge [sflag:s23], $0x1  }
0xa7: {  	[sflag:s23] =	ssyncset.done $0x0  }
0xa8: {  	s25 =	simm.s32 $0x1B8E;
	s24 =	sld [smem:$0x3FFE];
	[sflag:s23] =	ssyncadd.s32 $0xFFFFFFFF  }
0xa9: {  	s26 =	simm.s32 $execute0_lowered;
	[smem:$0x3FD2] =	sst s25  }
0xaa: {  	s9 =	sshll.u32 s26, $0x1;
	_ =	strace $0x80000046;
	[dreg:$0x1] =	wrdreg $0xFFFFFFFF  }
0xab: {  	s28 =	simm.s32 $_size_execute0_lowered;
	s7 =	sadd.s32 s7, s9;
	[dreg:$0x0] =	wrdreg $0x0  }
0xac: {  	s9 =	sshll.u32 s28, $0x1;
	[dreg:$0x2] =	wrdreg s7  }
0xad: {  	[dreg:$0x3] =	wrdreg s9  }
0xae: {  	[dreg:$0x4] =	wrdreg $0xC0  }
0xaf: {  	_ =	task [dreg:s11], $0x5FFFF  }
0xb0: {  	[dreg:$0x1] =	wrdreg $0xFFFFFFFF  }
0xb1: {  	[dreg:$0x0] =	wrdreg $0x60  }
0xb2: {  	[dreg:$0x2] =	wrdreg s2  }
0xb3: {  	[dreg:$0x3] =	wrdreg s18  }
0xb4: {  	[dreg:$0x4] =	wrdreg s4  }
0xb5: {  	[dreg:$0x5] =	wrdreg s5  }
0xb6: {  	[dreg:$0x6] =	wrdreg s24  }
0xb7: {  	[dreg:$0x7] =	wrdreg s6  }
0xb8: {  	[dreg:$0x8] =	wrdreg $0x9  }
0xb9: {  	_ =	task.clear_ibuf [dreg:s11], $0x9FFFF;
	_ =	strace $0x90000046  }
0xba: {  	s29 =	simm.s32 $0x9;
	_ =	strace $0x80000048  }
0xbb: {  	_ =	swait.ge [sflag:s29], $0x1  }
0xbc: {  	[sflag:s29] =	ssyncadd.s32 $0xFFFFFFFF  }
0xbd: {  	_ =	strace $0x90000048  }
0xbe: {  	_ =	sfence  }
0xbf: {  	s30 =	sld [smem:$0x0];
	_ =	sdelay $0x2  }
0xc0: {  	s31 =	sshll.u32 s1, $0xD;
	s1 =	sshrl.u32 s1, $0x2  }
0xc1: {  	s3 =	sand.u32 $0x4000, s31;
	s1 =	sadd.s32 s1, s30  }
0xc2: {  	s0 =	sor.u32 s3, s0;
	s1 =	sshll.u32 s1, $0x11  }
0xc3: {  	s0 =	sor.u32 s1, s0  }
0xc4: {  	s0 =	sadd.s32 $0x8F2B, s0  }
0xc5: {  	[sflag:s0] =	ssyncadd.remote.s32 $0x1  }
0xc6: {  	_ =	sfence.sel $0xFFFF  }
0xc7: {  	[dreg:$0x0] =	wrdreg $0xFFFFFFFF;
	(pc) =	sbr.abs _section_cstart, $3  }
0xc8: {  	[dreg:$0x1] =	wrdreg $0xFFFFFFFF  }
0xc9: {  	_ =	task.clear_ibuf [dreg:s11], $0x2FFFF;
	_ =	strace $0x9FFFFFFF  }
0xca: {  	(tm) =	ssettm $0x7FFFFFFF  }
0xcb: {  	_ =	shalt  }
tec
execute0_lowered:
.L_overlay_start_1:
0x0: {  	(tag) =	ssettag $0x1  }
0x1: {  	s0 =	rddreg [dreg:$0x0]  }
0x2: {  	s2 =	rddreg [dreg:$0x1]  }
0x3: {  	s11 =	rddreg [dreg:$0x2]  }
0x4: {  	s7 =	rddreg [dreg:$0x3]  }
0x5: {  	s6 =	rddreg [dreg:$0x4]  }
0x6: {  	s10 =	rddreg [dreg:$0x5];
	s1 =	simm.s32 $0x0;
	s4 =	srdreg.scid  }
0x7: {  	s5 =	stileid.u32;
	s16 =	simm.s32 $0x600;
	s22 =	simm.s32 $0x3  }
0x8: {  	s23 =	simm.s32 $0x80;
	s24 =	simm.s32 $0xC800;
	s17 =	simm.s32 $0x20  }
0x9: {  	s18 =	simm.s32 $0x800;
	s19 =	simm.s32 $0x4800;
	s20 =	simm.s32 $0x8800  }
0xa: {  	s21 =	simm.s32 $0x0;
	[smem:$0x7FF] =	sst s1;
	s3 =	sadd.s32 $0xE00, s6  }
0xb: {  	s8 =	sand.u32 $0x1, s4;
	s4 =	sadd.s32 $0xC00, s6;
	s9 =	sshll.u32 s5, $0xA  }
0xc: {  	s5 =	sadd.s32 $0xA00, s6;
	s12 =	sshll.u32 s8, $0x9;
	s8 =	ssub.s32 $0x2, s8  }
0xd: {  	s6 =	sadd.s32 $0x187600, s6;
	s9 =	sor.u32 s12, s9;
	s30 =	sshrl.u32 s8, $0x1  }
0xe: {  	_ =	strace $0x80000047;
	s13 =	sshrl.u32 s9, $0x3;
	s15 =	ssub.s32 s8, s30  }
0xf: {  	s31 =	sshll.u32 s9, $0x4;
	s7 =	sadd.s32 s7, s13;
	s8 =	sadd.s32 s0, s13  }
0x10: {  	s9 =	sadd.s32 s2, s13;
	s10 =	sadd.s32 s10, s31;
	s11 =	sadd.s32 s11, s13  }
0x11: {  	s15 =	smax.u32 s15, $0x1;
	s0 =	simm.s32 $0x1;
	s2 =	simm.s32 $0x2  }
0x12: {  	s12 =	sadd.s32 $0x4, s10;
	s13 =	sadd.s32 $0x8, s10;
	s14 =	sadd.s32 $0xC, s10  }
.LBB2_1:
0x13: {  	[tilespmem:s16], [sflag:$0x3] =	stream.linear.gather [hbm4b:s7+s1], $0x200, $0x38;
	[tilespmem:$0x10C20] =	vst v63  }
0x14: {  	_ = 	snop  }
0x15: {  	[tilespmem:s1], [sflag:$0x1] =	stream.linear.gather [hbm4b:s8+s1], $0x200, $0x38;
	[tilespmem:$0x10C20] =	vst v63  }
0x16: {  	s25 =	simm.s32 $0x200  }
0x17: {  	[tilespmem:s25], [sflag:$0x1] =	stream.linear.gather [hbm4b:s9+s1], $0x200, $0x38;
	[tilespmem:$0x10C20] =	vst v63  }
0x18: {  	s30 =	simm.s32 $0x400  }
0x19: {  	[tilespmem:s30], [sflag:$0x1] =	stream.linear.gather [hbm4b:s11+s1], $0x200, $0x38;
	[tilespmem:$0x10C20] =	vst v63  }
0x1a: {  	s31 =	simm.s32 $0x10800  }
0x1b: {  	[tilespmem:s31], [sflag:$0x1] =	stream.linear.gather [hbm4b:s3+s1], $0x60, $0x38;
	[tilespmem:$0x10C20] =	vst v63  }
0x1c: {  	s26 =	simm.s32 $0x10860  }
0x1d: {  	[tilespmem:s26], [sflag:$0x1] =	stream.linear.gather [hbm4b:s4+s1], $0x100, $0x38;
	[tilespmem:$0x10C20] =	vst v63  }
0x1e: {  	s30 =	simm.s32 $0x10960  }
0x1f: {  	[tilespmem:s30], [sflag:$0x1] =	stream.linear.gather [hbm4b:s5+s1], $0x2C0, $0x38;
	[tilespmem:$0x10C20] =	vst v63  }
0x20: {  	_ =	swait.ge [sflag:s22], $0x200  }
0x21: {  	[sflag:s22] =	ssyncset.done $0x0  }
0x22: {  	[sflag:s22] =	ssyncadd.s32 $0xFFFFFE00  }
0x23: {  	[tilespmem:s24], [sflag:$0x2] =	stream.indirect.gather [hbm4b:s6+s23], $0x20, s16, s23, $0xb8;
	[tilespmem:$0x10C20] =	vst v63  }
0x24: {  	s31 =	simm.s32 $0x680;
	s26 =	simm.s32 $0xD800  }
0x25: {  	[tilespmem:s26], [sflag:$0x2] =	stream.indirect.gather [hbm4b:s6+s23], $0x20, s31, s23, $0xb8;
	[tilespmem:$0x10C20] =	vst v63  }
0x26: {  	s30 =	simm.s32 $0x700;
	s31 =	simm.s32 $0xE800  }
0x27: {  	[tilespmem:s31], [sflag:$0x2] =	stream.indirect.gather [hbm4b:s6+s23], $0x20, s30, s23, $0xb8;
	[tilespmem:$0x10C20] =	vst v63  }
0x28: {  	s30 =	simm.s32 $0x780;
	s31 =	simm.s32 $0xF800  }
0x29: {  	[tilespmem:s31], [sflag:$0x2] =	stream.indirect.gather [hbm4b:s6+s23], $0x20, s30, s23, $0xb8;
	[tilespmem:$0x10C20] =	vst v63  }
0x2a: {  	_ =	swait.ge [sflag:s0], $0x200  }
0x2b: {  	[sflag:s0] =	ssyncset.done $0x0  }
0x2c: {  	[sflag:s0] =	ssyncadd.s32 $0xFFFFFE00  }
0x2d: {  	_ =	swait.ge [sflag:s0], $0x200  }
0x2e: {  	[sflag:s0] =	ssyncset.done $0x0  }
0x2f: {  	[sflag:s0] =	ssyncadd.s32 $0xFFFFFE00  }
0x30: {  	_ =	swait.ge [sflag:s0], $0x200  }
0x31: {  	[sflag:s0] =	ssyncset.done $0x0  }
0x32: {  	[sflag:s0] =	ssyncadd.s32 $0xFFFFFE00  }
0x33: {  	_ =	swait.ge [sflag:s0], $0x60  }
0x34: {  	[sflag:s0] =	ssyncset.done $0x0  }
0x35: {  	[sflag:s0] =	ssyncadd.s32 $0xFFFFFFA0  }
0x36: {  	_ =	swait.ge [sflag:s0], $0x100  }
0x37: {  	[sflag:s0] =	ssyncset.done $0x0  }
0x38: {  	[sflag:s0] =	ssyncadd.s32 $0xFFFFFF00  }
0x39: {  	_ =	swait.ge [sflag:s0], $0x2C0  }
0x3a: {  	s28 =	simm.s32 $0x900;
	s29 =	simm.s32 $0x0;
	[sflag:s0] =	ssyncset.done $0x0  }
0x3b: {  	s25 =	simm.s32 $0x8900;
	s26 =	simm.s32 $0x4900;
	[sflag:s0] =	ssyncadd.s32 $0xFFFFFD40  }
.LBB2_2:
0x3c: {  	s30 =	sshra.s32 s29, $0x2  }
0x3d: {  	v0 =	vld [tilespmem:s30+$0x0];
	_ =	sdelay $0x4  }
0x3e: {  	v0 =	vshll.u32 v0, $0x7  }
0x3f: {  	v0 =	vshra.s32 v0, $0x2  }
0x40: {  	(v2sf) =	vpush v0, $0x0;
	_ =	sdelay $0xb  }
0x41: {  	(v2sf) =	vpush v0, $0x1;
	_ =	sdelay $0x2  }
0x42: {  	s31 =	spop (v2sf)  }
0x43: {  	v1 =	vld [tilespmem:s31+$0x10800];
	_ =	sdelay $0x4  }
0x44: {  	[tilespmem:s28+$0xFFFFFF00] =	vst v1  }
0x45: {  	v1 =	vld [tilespmem:s31+$0x10810];
	_ =	sdelay $0x1  }
0x46: {  	(v2sf) =	vpush v0, $0x2;
	_ =	sdelay $0x2  }
0x47: {  	s31 =	spop (v2sf);
	[tilespmem:s28+$0xFFFFFF10] =	vst v1  }
0x48: {  	v1 =	vld [tilespmem:s31+$0x10800];
	_ =	sdelay $0x4  }
0x49: {  	[tilespmem:s28+$0xFFFFFF20] =	vst v1  }
0x4a: {  	v1 =	vld [tilespmem:s31+$0x10810];
	_ =	sdelay $0x1  }
0x4b: {  	(v2sf) =	vpush v0, $0x3;
	_ =	sdelay $0x2  }
0x4c: {  	s31 =	spop (v2sf);
	[tilespmem:s28+$0xFFFFFF30] =	vst v1  }
0x4d: {  	v1 =	vld [tilespmem:s31+$0x10800];
	_ =	sdelay $0x4  }
0x4e: {  	[tilespmem:s28+$0xFFFFFF40] =	vst v1  }
0x4f: {  	v1 =	vld [tilespmem:s31+$0x10810];
	_ =	sdelay $0x1  }
0x50: {  	(v2sf) =	vpush v0, $0x4;
	_ =	sdelay $0x2  }
0x51: {  	s31 =	spop (v2sf);
	[tilespmem:s28+$0xFFFFFF50] =	vst v1  }
0x52: {  	v1 =	vld [tilespmem:s31+$0x10800];
	_ =	sdelay $0x4  }
0x53: {  	[tilespmem:s28+$0xFFFFFF60] =	vst v1  }
0x54: {  	v1 =	vld [tilespmem:s31+$0x10810];
	_ =	sdelay $0x1  }
0x55: {  	(v2sf) =	vpush v0, $0x5;
	_ =	sdelay $0x2  }
0x56: {  	s31 =	spop (v2sf);
	[tilespmem:s28+$0xFFFFFF70] =	vst v1  }
0x57: {  	v1 =	vld [tilespmem:s31+$0x10800];
	_ =	sdelay $0x4  }
0x58: {  	[tilespmem:s28+$0xFFFFFF80] =	vst v1  }
0x59: {  	v1 =	vld [tilespmem:s31+$0x10810];
	_ =	sdelay $0x1  }
0x5a: {  	(v2sf) =	vpush v0, $0x6;
	_ =	sdelay $0x2  }
0x5b: {  	s31 =	spop (v2sf);
	[tilespmem:s28+$0xFFFFFF90] =	vst v1  }
0x5c: {  	v1 =	vld [tilespmem:s31+$0x10800];
	_ =	sdelay $0x4  }
0x5d: {  	[tilespmem:s28+$0xFFFFFFA0] =	vst v1  }
0x5e: {  	v1 =	vld [tilespmem:s31+$0x10810];
	_ =	sdelay $0x1  }
0x5f: {  	(v2sf) =	vpush v0, $0x7;
	_ =	sdelay $0x2  }
0x60: {  	s31 =	spop (v2sf);
	[tilespmem:s28+$0xFFFFFFB0] =	vst v1  }
0x61: {  	v1 =	vld [tilespmem:s31+$0x10800];
	_ =	sdelay $0x4  }
0x62: {  	[tilespmem:s28+$0xFFFFFFC0] =	vst v1  }
0x63: {  	v1 =	vld [tilespmem:s31+$0x10810];
	_ =	sdelay $0x1  }
0x64: {  	(v2sf) =	vpush v0, $0x8;
	_ =	sdelay $0x2  }
0x65: {  	s31 =	spop (v2sf);
	[tilespmem:s28+$0xFFFFFFD0] =	vst v1  }
0x66: {  	v1 =	vld [tilespmem:s31+$0x10800];
	_ =	sdelay $0x4  }
0x67: {  	[tilespmem:s28+$0xFFFFFFE0] =	vst v1  }
0x68: {  	v1 =	vld [tilespmem:s31+$0x10810];
	_ =	sdelay $0x1  }
0x69: {  	(v2sf) =	vpush v0, $0x9;
	_ =	sdelay $0x2  }
0x6a: {  	s31 =	spop (v2sf);
	[tilespmem:s28+$0xFFFFFFF0] =	vst v1  }
0x6b: {  	v1 =	vld [tilespmem:s31+$0x10800];
	_ =	sdelay $0x4  }
0x6c: {  	[tilespmem:s28+$0x0] =	vst v1  }
0x6d: {  	v1 =	vld [tilespmem:s31+$0x10810];
	_ =	sdelay $0x1  }
0x6e: {  	(v2sf) =	vpush v0, $0xA;
	_ =	sdelay $0x2  }
0x6f: {  	s31 =	spop (v2sf);
	[tilespmem:s28+$0x10] =	vst v1  }
0x70: {  	v1 =	vld [tilespmem:s31+$0x10800];
	_ =	sdelay $0x4  }
0x71: {  	[tilespmem:s28+$0x20] =	vst v1  }
0x72: {  	v1 =	vld [tilespmem:s31+$0x10810];
	_ =	sdelay $0x1  }
0x73: {  	(v2sf) =	vpush v0, $0xB;
	_ =	sdelay $0x2  }
0x74: {  	s31 =	spop (v2sf);
	[tilespmem:s28+$0x30] =	vst v1  }
0x75: {  	v1 =	vld [tilespmem:s31+$0x10800];
	_ =	sdelay $0x4  }
0x76: {  	[tilespmem:s28+$0x40] =	vst v1  }
0x77: {  	v1 =	vld [tilespmem:s31+$0x10810];
	_ =	sdelay $0x1  }
0x78: {  	(v2sf) =	vpush v0, $0xC;
	_ =	sdelay $0x2  }
0x79: {  	s31 =	spop (v2sf);
	[tilespmem:s28+$0x50] =	vst v1  }
0x7a: {  	v1 =	vld [tilespmem:s31+$0x10800];
	_ =	sdelay $0x4  }
0x7b: {  	[tilespmem:s28+$0x60] =	vst v1  }
0x7c: {  	v1 =	vld [tilespmem:s31+$0x10810];
	_ =	sdelay $0x1  }
0x7d: {  	(v2sf) =	vpush v0, $0xD;
	_ =	sdelay $0x2  }
0x7e: {  	s31 =	spop (v2sf);
	[tilespmem:s28+$0x70] =	vst v1  }
0x7f: {  	v1 =	vld [tilespmem:s31+$0x10800];
	_ =	sdelay $0x4  }
0x80: {  	[tilespmem:s28+$0x80] =	vst v1  }
0x81: {  	v1 =	vld [tilespmem:s31+$0x10810];
	_ =	sdelay $0x1  }
0x82: {  	(v2sf) =	vpush v0, $0xE;
	_ =	sdelay $0x2  }
0x83: {  	s31 =	spop (v2sf);
	[tilespmem:s28+$0x90] =	vst v1  }
0x84: {  	v1 =	vld [tilespmem:s31+$0x10800];
	_ =	sdelay $0x4  }
0x85: {  	[tilespmem:s28+$0xA0] =	vst v1  }
0x86: {  	v1 =	vld [tilespmem:s31+$0x10810];
	_ =	sdelay $0x1  }
0x87: {  	(v2sf) =	vpush v0, $0xF;
	_ =	sdelay $0x2  }
0x88: {  	s31 =	spop (v2sf);
	[tilespmem:s28+$0xB0] =	vst v1  }
0x89: {  	v61 =	vld [tilespmem:s31+$0x10800];
	_ =	sdelay $0x4  }
0x8a: {  	[tilespmem:s28+$0xC0] =	vst v61  }
0x8b: {  	v0 =	vld [tilespmem:s31+$0x10810];
	_ =	sdelay $0x4  }
0x8c: {  	s31 =	spop (v2sf);
	[tilespmem:s28+$0xD0] =	vst v0  }
0x8d: {  	v0 =	vld [tilespmem:s31+$0x10800];
	_ =	sdelay $0x4  }
0x8e: {  	[tilespmem:s28+$0xE0] =	vst v0  }
0x8f: {  	v0 =	vld [tilespmem:s31+$0x10810];
	_ =	sdelay $0x4  }
0x90: {  	[tilespmem:s28+$0xF0] =	vst v0  }
0x91: {  	v0 =	vld [tilespmem:s30+$0x200];
	_ =	sdelay $0x4  }
0x92: {  	v0 =	vshll.u32 v0, $0x7  }
0x93: {  	v0 =	vshra.s32 v0, $0x2  }
0x94: {  	(v2sf) =	vpush v0, $0x0;
	_ =	sdelay $0xb  }
0x95: {  	(v2sf) =	vpush v0, $0x1;
	_ =	sdelay $0x2  }
0x96: {  	s31 =	spop (v2sf)  }
0x97: {  	v1 =	vld [tilespmem:s31+$0x10860];
	_ =	sdelay $0x4  }
0x98: {  	[tilespmem:s26+$0xFFFFFF00] =	vst v1  }
0x99: {  	v1 =	vld [tilespmem:s31+$0x10870];
	_ =	sdelay $0x1  }
0x9a: {  	(v2sf) =	vpush v0, $0x2;
	_ =	sdelay $0x2  }
0x9b: {  	s31 =	spop (v2sf);
	[tilespmem:s26+$0xFFFFFF10] =	vst v1  }
0x9c: {  	v1 =	vld [tilespmem:s31+$0x10860];
	_ =	sdelay $0x4  }
0x9d: {  	[tilespmem:s26+$0xFFFFFF20] =	vst v1  }
0x9e: {  	v1 =	vld [tilespmem:s31+$0x10870];
	_ =	sdelay $0x1  }
0x9f: {  	(v2sf) =	vpush v0, $0x3;
	_ =	sdelay $0x2  }
0xa0: {  	s31 =	spop (v2sf);
	[tilespmem:s26+$0xFFFFFF30] =	vst v1  }
0xa1: {  	v1 =	vld [tilespmem:s31+$0x10860];
	_ =	sdelay $0x4  }
0xa2: {  	[tilespmem:s26+$0xFFFFFF40] =	vst v1  }
0xa3: {  	v1 =	vld [tilespmem:s31+$0x10870];
	_ =	sdelay $0x1  }
0xa4: {  	(v2sf) =	vpush v0, $0x4;
	_ =	sdelay $0x2  }
0xa5: {  	s31 =	spop (v2sf);
	[tilespmem:s26+$0xFFFFFF50] =	vst v1  }
0xa6: {  	v1 =	vld [tilespmem:s31+$0x10860];
	_ =	sdelay $0x4  }
0xa7: {  	[tilespmem:s26+$0xFFFFFF60] =	vst v1  }
0xa8: {  	v1 =	vld [tilespmem:s31+$0x10870];
	_ =	sdelay $0x1  }
0xa9: {  	(v2sf) =	vpush v0, $0x5;
	_ =	sdelay $0x2  }
0xaa: {  	s31 =	spop (v2sf);
	[tilespmem:s26+$0xFFFFFF70] =	vst v1  }
0xab: {  	v1 =	vld [tilespmem:s31+$0x10860];
	_ =	sdelay $0x4  }
0xac: {  	[tilespmem:s26+$0xFFFFFF80] =	vst v1  }
0xad: {  	v1 =	vld [tilespmem:s31+$0x10870];
	_ =	sdelay $0x1  }
0xae: {  	(v2sf) =	vpush v0, $0x6;
	_ =	sdelay $0x2  }
0xaf: {  	s31 =	spop (v2sf);
	[tilespmem:s26+$0xFFFFFF90] =	vst v1  }
0xb0: {  	v1 =	vld [tilespmem:s31+$0x10860];
	_ =	sdelay $0x4  }
0xb1: {  	[tilespmem:s26+$0xFFFFFFA0] =	vst v1  }
0xb2: {  	v1 =	vld [tilespmem:s31+$0x10870];
	_ =	sdelay $0x1  }
0xb3: {  	(v2sf) =	vpush v0, $0x7;
	_ =	sdelay $0x2  }
0xb4: {  	s31 =	spop (v2sf);
	[tilespmem:s26+$0xFFFFFFB0] =	vst v1  }
0xb5: {  	v1 =	vld [tilespmem:s31+$0x10860];
	_ =	sdelay $0x4  }
0xb6: {  	[tilespmem:s26+$0xFFFFFFC0] =	vst v1  }
0xb7: {  	v1 =	vld [tilespmem:s31+$0x10870];
	_ =	sdelay $0x1  }
0xb8: {  	(v2sf) =	vpush v0, $0x8;
	_ =	sdelay $0x2  }
0xb9: {  	s31 =	spop (v2sf);
	[tilespmem:s26+$0xFFFFFFD0] =	vst v1  }
0xba: {  	v1 =	vld [tilespmem:s31+$0x10860];
	_ =	sdelay $0x4  }
0xbb: {  	[tilespmem:s26+$0xFFFFFFE0] =	vst v1  }
0xbc: {  	v1 =	vld [tilespmem:s31+$0x10870];
	_ =	sdelay $0x1  }
0xbd: {  	(v2sf) =	vpush v0, $0x9;
	_ =	sdelay $0x2  }
0xbe: {  	s31 =	spop (v2sf);
	[tilespmem:s26+$0xFFFFFFF0] =	vst v1  }
0xbf: {  	v1 =	vld [tilespmem:s31+$0x10860];
	_ =	sdelay $0x4  }
0xc0: {  	[tilespmem:s26+$0x0] =	vst v1  }
0xc1: {  	v1 =	vld [tilespmem:s31+$0x10870];
	_ =	sdelay $0x1  }
0xc2: {  	(v2sf) =	vpush v0, $0xA;
	_ =	sdelay $0x2  }
0xc3: {  	s31 =	spop (v2sf);
	[tilespmem:s26+$0x10] =	vst v1  }
0xc4: {  	v1 =	vld [tilespmem:s31+$0x10860];
	_ =	sdelay $0x4  }
0xc5: {  	[tilespmem:s26+$0x20] =	vst v1  }
0xc6: {  	v1 =	vld [tilespmem:s31+$0x10870];
	_ =	sdelay $0x1  }
0xc7: {  	(v2sf) =	vpush v0, $0xB;
	_ =	sdelay $0x2  }
0xc8: {  	s31 =	spop (v2sf);
	[tilespmem:s26+$0x30] =	vst v1  }
0xc9: {  	v1 =	vld [tilespmem:s31+$0x10860];
	_ =	sdelay $0x4  }
0xca: {  	[tilespmem:s26+$0x40] =	vst v1  }
0xcb: {  	v1 =	vld [tilespmem:s31+$0x10870];
	_ =	sdelay $0x1  }
0xcc: {  	(v2sf) =	vpush v0, $0xC;
	_ =	sdelay $0x2  }
0xcd: {  	s31 =	spop (v2sf);
	[tilespmem:s26+$0x50] =	vst v1  }
0xce: {  	v1 =	vld [tilespmem:s31+$0x10860];
	_ =	sdelay $0x4  }
0xcf: {  	[tilespmem:s26+$0x60] =	vst v1  }
0xd0: {  	v1 =	vld [tilespmem:s31+$0x10870];
	_ =	sdelay $0x1  }
0xd1: {  	(v2sf) =	vpush v0, $0xD;
	_ =	sdelay $0x2  }
0xd2: {  	s31 =	spop (v2sf);
	[tilespmem:s26+$0x70] =	vst v1  }
0xd3: {  	v1 =	vld [tilespmem:s31+$0x10860];
	_ =	sdelay $0x4  }
0xd4: {  	[tilespmem:s26+$0x80] =	vst v1  }
0xd5: {  	v1 =	vld [tilespmem:s31+$0x10870];
	_ =	sdelay $0x1  }
0xd6: {  	(v2sf) =	vpush v0, $0xE;
	_ =	sdelay $0x2  }
0xd7: {  	s31 =	spop (v2sf);
	[tilespmem:s26+$0x90] =	vst v1  }
0xd8: {  	v1 =	vld [tilespmem:s31+$0x10860];
	_ =	sdelay $0x4  }
0xd9: {  	[tilespmem:s26+$0xA0] =	vst v1  }
0xda: {  	v1 =	vld [tilespmem:s31+$0x10870];
	_ =	sdelay $0x1  }
0xdb: {  	(v2sf) =	vpush v0, $0xF;
	_ =	sdelay $0x2  }
0xdc: {  	s31 =	spop (v2sf);
	[tilespmem:s26+$0xB0] =	vst v1  }
0xdd: {  	v62 =	vld [tilespmem:s31+$0x10860];
	_ =	sdelay $0x4  }
0xde: {  	[tilespmem:s26+$0xC0] =	vst v62  }
0xdf: {  	v0 =	vld [tilespmem:s31+$0x10870];
	_ =	sdelay $0x4  }
0xe0: {  	s31 =	spop (v2sf);
	[tilespmem:s26+$0xD0] =	vst v0  }
0xe1: {  	v0 =	vld [tilespmem:s31+$0x10860];
	_ =	sdelay $0x4  }
0xe2: {  	[tilespmem:s26+$0xE0] =	vst v0  }
0xe3: {  	v0 =	vld [tilespmem:s31+$0x10870];
	_ =	sdelay $0x4  }
0xe4: {  	[tilespmem:s26+$0xF0] =	vst v0  }
0xe5: {  	v0 =	vld [tilespmem:s30+$0x400];
	_ =	sdelay $0x4  }
0xe6: {  	v0 =	vshll.u32 v0, $0x7  }
0xe7: {  	v0 =	vshra.s32 v0, $0x2  }
0xe8: {  	(v2sf) =	vpush v0, $0x0;
	_ =	sdelay $0xb  }
0xe9: {  	(v2sf) =	vpush v0, $0x1;
	_ =	sdelay $0x2  }
0xea: {  	s31 =	spop (v2sf)  }
0xeb: {  	v1 =	vld [tilespmem:s31+$0x10960];
	_ =	sdelay $0x4  }
0xec: {  	[tilespmem:s25+$0xFFFFFF00] =	vst v1  }
0xed: {  	v1 =	vld [tilespmem:s31+$0x10970];
	_ =	sdelay $0x1  }
0xee: {  	(v2sf) =	vpush v0, $0x2;
	_ =	sdelay $0x2  }
0xef: {  	s31 =	spop (v2sf);
	[tilespmem:s25+$0xFFFFFF10] =	vst v1  }
0xf0: {  	v1 =	vld [tilespmem:s31+$0x10960];
	_ =	sdelay $0x4  }
0xf1: {  	[tilespmem:s25+$0xFFFFFF20] =	vst v1  }
0xf2: {  	v1 =	vld [tilespmem:s31+$0x10970];
	_ =	sdelay $0x1  }
0xf3: {  	(v2sf) =	vpush v0, $0x3;
	_ =	sdelay $0x2  }
0xf4: {  	s31 =	spop (v2sf);
	[tilespmem:s25+$0xFFFFFF30] =	vst v1  }
0xf5: {  	v1 =	vld [tilespmem:s31+$0x10960];
	_ =	sdelay $0x4  }
0xf6: {  	[tilespmem:s25+$0xFFFFFF40] =	vst v1  }
0xf7: {  	v1 =	vld [tilespmem:s31+$0x10970];
	_ =	sdelay $0x1  }
0xf8: {  	(v2sf) =	vpush v0, $0x4;
	_ =	sdelay $0x2  }
0xf9: {  	s31 =	spop (v2sf);
	[tilespmem:s25+$0xFFFFFF50] =	vst v1  }
0xfa: {  	v1 =	vld [tilespmem:s31+$0x10960];
	_ =	sdelay $0x4  }
0xfb: {  	[tilespmem:s25+$0xFFFFFF60] =	vst v1  }
0xfc: {  	v1 =	vld [tilespmem:s31+$0x10970];
	_ =	sdelay $0x1  }
0xfd: {  	(v2sf) =	vpush v0, $0x5;
	_ =	sdelay $0x2  }
0xfe: {  	s31 =	spop (v2sf);
	[tilespmem:s25+$0xFFFFFF70] =	vst v1  }
0xff: {  	v1 =	vld [tilespmem:s31+$0x10960];
	_ =	sdelay $0x4  }
0x100: {  	[tilespmem:s25+$0xFFFFFF80] =	vst v1  }
0x101: {  	v1 =	vld [tilespmem:s31+$0x10970];
	_ =	sdelay $0x1  }
0x102: {  	(v2sf) =	vpush v0, $0x6;
	_ =	sdelay $0x2  }
0x103: {  	s31 =	spop (v2sf);
	[tilespmem:s25+$0xFFFFFF90] =	vst v1  }
0x104: {  	v1 =	vld [tilespmem:s31+$0x10960];
	_ =	sdelay $0x4  }
0x105: {  	[tilespmem:s25+$0xFFFFFFA0] =	vst v1  }
0x106: {  	v1 =	vld [tilespmem:s31+$0x10970];
	_ =	sdelay $0x1  }
0x107: {  	(v2sf) =	vpush v0, $0x7;
	_ =	sdelay $0x2  }
0x108: {  	s31 =	spop (v2sf);
	[tilespmem:s25+$0xFFFFFFB0] =	vst v1  }
0x109: {  	v1 =	vld [tilespmem:s31+$0x10960];
	_ =	sdelay $0x4  }
0x10a: {  	[tilespmem:s25+$0xFFFFFFC0] =	vst v1  }
0x10b: {  	v1 =	vld [tilespmem:s31+$0x10970];
	_ =	sdelay $0x1  }
0x10c: {  	(v2sf) =	vpush v0, $0x8;
	_ =	sdelay $0x2  }
0x10d: {  	s31 =	spop (v2sf);
	[tilespmem:s25+$0xFFFFFFD0] =	vst v1  }
0x10e: {  	v1 =	vld [tilespmem:s31+$0x10960];
	_ =	sdelay $0x4  }
0x10f: {  	[tilespmem:s25+$0xFFFFFFE0] =	vst v1  }
0x110: {  	v1 =	vld [tilespmem:s31+$0x10970];
	_ =	sdelay $0x1  }
0x111: {  	(v2sf) =	vpush v0, $0x9;
	_ =	sdelay $0x2  }
0x112: {  	s31 =	spop (v2sf);
	[tilespmem:s25+$0xFFFFFFF0] =	vst v1  }
0x113: {  	v1 =	vld [tilespmem:s31+$0x10960];
	_ =	sdelay $0x4  }
0x114: {  	[tilespmem:s25+$0x0] =	vst v1  }
0x115: {  	v1 =	vld [tilespmem:s31+$0x10970];
	_ =	sdelay $0x1  }
0x116: {  	(v2sf) =	vpush v0, $0xA;
	_ =	sdelay $0x2  }
0x117: {  	s31 =	spop (v2sf);
	[tilespmem:s25+$0x10] =	vst v1  }
0x118: {  	v1 =	vld [tilespmem:s31+$0x10960];
	_ =	sdelay $0x4  }
0x119: {  	[tilespmem:s25+$0x20] =	vst v1  }
0x11a: {  	v1 =	vld [tilespmem:s31+$0x10970];
	_ =	sdelay $0x1  }
0x11b: {  	(v2sf) =	vpush v0, $0xB;
	_ =	sdelay $0x2  }
0x11c: {  	s31 =	spop (v2sf);
	[tilespmem:s25+$0x30] =	vst v1  }
0x11d: {  	v1 =	vld [tilespmem:s31+$0x10960];
	_ =	sdelay $0x4  }
0x11e: {  	[tilespmem:s25+$0x40] =	vst v1  }
0x11f: {  	v1 =	vld [tilespmem:s31+$0x10970];
	_ =	sdelay $0x1  }
0x120: {  	(v2sf) =	vpush v0, $0xC;
	_ =	sdelay $0x2  }
0x121: {  	s31 =	spop (v2sf);
	[tilespmem:s25+$0x50] =	vst v1  }
0x122: {  	v1 =	vld [tilespmem:s31+$0x10960];
	_ =	sdelay $0x4  }
0x123: {  	[tilespmem:s25+$0x60] =	vst v1  }
0x124: {  	v1 =	vld [tilespmem:s31+$0x10970];
	_ =	sdelay $0x1  }
0x125: {  	(v2sf) =	vpush v0, $0xD;
	_ =	sdelay $0x2  }
0x126: {  	s31 =	spop (v2sf);
	[tilespmem:s25+$0x70] =	vst v1  }
0x127: {  	v1 =	vld [tilespmem:s31+$0x10960];
	_ =	sdelay $0x4  }
0x128: {  	[tilespmem:s25+$0x80] =	vst v1  }
0x129: {  	v1 =	vld [tilespmem:s31+$0x10970];
	_ =	sdelay $0x1  }
0x12a: {  	(v2sf) =	vpush v0, $0xE;
	_ =	sdelay $0x2  }
0x12b: {  	s31 =	spop (v2sf);
	[tilespmem:s25+$0x90] =	vst v1  }
0x12c: {  	v1 =	vld [tilespmem:s31+$0x10960];
	_ =	sdelay $0x4  }
0x12d: {  	[tilespmem:s25+$0xA0] =	vst v1  }
0x12e: {  	v1 =	vld [tilespmem:s31+$0x10970];
	_ =	sdelay $0x1  }
0x12f: {  	(v2sf) =	vpush v0, $0xF;
	_ =	sdelay $0x2  }
0x130: {  	s31 =	spop (v2sf);
	[tilespmem:s25+$0xB0] =	vst v1  }
0x131: {  	v63 =	vld [tilespmem:s31+$0x10960];
	_ =	sdelay $0x4  }
0x132: {  	[tilespmem:s25+$0xC0] =	vst v63  }
0x133: {  	v0 =	vld [tilespmem:s31+$0x10970];
	_ =	sdelay $0x4  }
0x134: {  	s31 =	spop (v2sf);
	[tilespmem:s25+$0xD0] =	vst v0  }
0x135: {  	v0 =	vld [tilespmem:s31+$0x10960];
	_ =	sdelay $0x4  }
0x136: {  	[tilespmem:s25+$0xE0] =	vst v0  }
0x137: {  	p0 =	sne.s32 s29, $0x7C0;
	v0 =	vld [tilespmem:s31+$0x10970]  }
.Ltmp0:
0x138: {  	_ = 	snop;
	(pc) =	sbr.rel @p0 .LBB2_2-.Ltmp0, $3  }
0x139: {  	_ =	sdelay $0x1  }
0x13a: {  	s29 =	sadd.s32 $0x40, s29  }
0x13b: {  	s28 =	sadd.s32 $0x200, s28;
	s26 =	sadd.s32 $0x200, s26;
	[tilespmem:s25+$0xF0] =	vst v0;
	s25 =	sadd.s32 $0x200, s25  }
0x13c: {  	_ =	swait.ge [sflag:s2], $0x1000  }
0x13d: {  	[sflag:s2] =	ssyncset.done $0x0  }
0x13e: {  	[sflag:s2] =	ssyncadd.s32 $0xFFFFF000  }
0x13f: {  	_ =	swait.ge [sflag:s2], $0x1000  }
0x140: {  	[sflag:s2] =	ssyncset.done $0x0  }
0x141: {  	[sflag:s2] =	ssyncadd.s32 $0xFFFFF000  }
0x142: {  	_ =	swait.ge [sflag:s2], $0x1000  }
0x143: {  	[sflag:s2] =	ssyncset.done $0x0  }
0x144: {  	[sflag:s2] =	ssyncadd.s32 $0xFFFFF000  }
0x145: {  	_ =	swait.ge [sflag:s2], $0x1000  }
0x146: {  	[sflag:s2] =	ssyncset.done $0x0  }
0x147: {  	[sflag:s2] =	ssyncadd.s32 $0xFFFFF000  }
0x148: {  	[hbm4b:s10+s17] =	stream.strided.scatter [tilespmem:s18], [sflag:$0x1], $0x4000, s23, s17, $0x38;
	[tilespmem:$0x10C20] =	vst v63  }
0x149: {  	_ = 	snop  }
0x14a: {  	[hbm4b:s12+s17] =	stream.strided.scatter [tilespmem:s19], [sflag:$0x1], $0x4000, s23, s17, $0x38;
	[tilespmem:$0x10C20] =	vst v63  }
0x14b: {  	_ = 	snop  }
0x14c: {  	[hbm4b:s13+s17] =	stream.strided.scatter [tilespmem:s20], [sflag:$0x1], $0x4000, s23, s17, $0x38;
	[tilespmem:$0x10C20] =	vst v63  }
0x14d: {  	_ = 	snop  }
0x14e: {  	[hbm4b:s14+s17] =	stream.strided.scatter [tilespmem:s24], [sflag:$0x1], $0x4000, s23, s17, $0x38;
	[tilespmem:$0x10C20] =	vst v63  }
0x14f: {  	_ =	swait.ge [sflag:s0], $0x4000  }
0x150: {  	[sflag:s0] =	ssyncset.done $0x0  }
0x151: {  	[sflag:s0] =	ssyncadd.s32 $0xFFFFC000  }
0x152: {  	_ =	swait.ge [sflag:s0], $0x4000  }
0x153: {  	[sflag:s0] =	ssyncset.done $0x0  }
0x154: {  	s21 =	sadd.s32 $0x1, s21;
	[sflag:s0] =	ssyncadd.s32 $0xFFFFC000  }
0x155: {  	p0 =	sne.s32 s21, s15;
	_ =	swait.ge [sflag:s0], $0x4000  }
.Ltmp1:
0x156: {  	[sflag:s0] =	ssyncset.done $0x0;
	(pc) =	sbr.rel @p0 .LBB2_1-.Ltmp1, $4  }
0x157: {  	[sflag:s0] =	ssyncadd.s32 $0xFFFFC000  }
0x158: {  	_ =	swait.ge [sflag:s0], $0x4000  }
0x159: {  	[sflag:s0] =	ssyncset.done $0x0  }
0x15a: {  	[sflag:s0] =	ssyncadd.s32 $0xFFFFC000  }
0x15b: {  	_ =	sfence.sel $0x180000  }
0x15c: {  	[bflag:$0x0] =	sbarrier.arrive $0xFFFF  }
0x15d: {  	_ =	strace $0x90000047  }
0x15e: {  	s0 =	stileid.u32;
	[bflag:$0x2] =	sbarrier.arrive $0xFFFF  }
0x15f: {  	p0 =	sne.s32 s0, $0x0;
	s0 =	rddreg [dreg:$0x6]  }
0x160: {  	s0 =	sadd.s32 @!p0 $0x100000, s0  }
0x161: {  	[sflag:s0] =	ssyncadd.tile.s32 @!p0 $0x1;
	_ =	shalt  }
.Lfunc_end2:
_tile_overlayer_lowered:
.L_overlay_start_2:
0x162: {  	(tag) =	ssettag $0x2  }
0x163: {  	s0 =	rddreg [dreg:$0x0];
	s2 =	stileid.u32  }
0x164: {  	s1 =	rddreg [dreg:$0x1];
	p0 =	sne.s32 s2, $0x0  }
0x165: {  	s3 =	rddreg [dreg:$0x2];
	[bflag:$0x3] =	sbarrier.arrive $0xFFFF;
	s2 =	simm.s32 @!p0 $0x1C04  }
0x166: {  	[timem:s3], [sflag:s2] =	dma.local @!p0 [hbm:s0], s1  }
0x167: {  	s0 =	simm.s32 @!p0 $0x4  }
0x168: {  	_ =	swait.ge @!p0 [sflag:s0], s1  }
0x169: {  	s1 =	ssub.s32 @!p0 $0x0, s1;
	[sflag:s0] =	ssyncset.done @!p0 $0x0  }
0x16a: {  	[sflag:s0] =	ssyncadd.s32 @!p0 s1  }
0x16b: {  	[bflag:$0x3] =	sbarrier.arrive $0xFFFF  }
0x16c: {  	_ =	shalt  }

</sc_bundles>
